<compile_context>
chip_gen: v7x
topology: tpu7x:2x2x1
jax: 0.10.2.dev20260603
libtpu: 0.0.44.dev20260713+nightly
codegen_flags: <defaults>
</compile_context>

<pallas_src>
import functools

import jax
import jax.numpy as jnp
from jax import lax
from jax.experimental import pallas as pl
from jax.experimental.pallas import tpu as pltpu
from jax.experimental.pallas import tpu_sc as plsc

NC, NS = 2, 16
NW = NC * NS
B = 16384
D = 64
BPW = B // NW
CH = 128
NCH = BPW // CH
LANES = 16


def _body(user_hbm, ii_hbm, ij_hbm, uw_hbm, iw_hbm, out_i_hbm, out_j_hbm,
          uidx, iidx, jidx, urows, irows, jrows, ti, tj, oi, oj, sem):
    wid = lax.axis_index("s") * NC + lax.axis_index("c")

    pltpu.sync_copy(user_hbm.at[wid], uidx)
    pltpu.sync_copy(ii_hbm.at[wid], iidx)
    pltpu.sync_copy(ij_hbm.at[wid], jidx)

    copies = []
    for c in range(NCH):
        copies.append(pltpu.async_copy(
            uw_hbm.at[uidx.at[c]], urows.at[pl.ds(c * CH, CH)], sem))
        copies.append(pltpu.async_copy(
            iw_hbm.at[iidx.at[c]], irows.at[pl.ds(c * CH, CH)], sem))
        copies.append(pltpu.async_copy(
            iw_hbm.at[jidx.at[c]], jrows.at[pl.ds(c * CH, CH)], sem))
    for cp in copies:
        cp.wait()

    iota = lax.iota(jnp.int32, LANES)

    def group(g, carry):
        base_r = g * LANES
        for m in range(LANES):
            r = base_r + m
            acc_i = urows[r, pl.ds(0, LANES)] * irows[r, pl.ds(0, LANES)]
            acc_j = urows[r, pl.ds(0, LANES)] * jrows[r, pl.ds(0, LANES)]
            for k in range(1, D // LANES):
                u = urows[r, pl.ds(k * LANES, LANES)]
                acc_i = acc_i + u * irows[r, pl.ds(k * LANES, LANES)]
                acc_j = acc_j + u * jrows[r, pl.ds(k * LANES, LANES)]
            tidx = iota * LANES + m
            plsc.store_scatter(ti, [tidx], acc_i)
            plsc.store_scatter(tj, [tidx], acc_j)
        si = ti[pl.ds(0, LANES)]
        sj = tj[pl.ds(0, LANES)]
        for m in range(1, LANES):
            si = si + ti[pl.ds(m * LANES, LANES)]
            sj = sj + tj[pl.ds(m * LANES, LANES)]
        oi[pl.ds(base_r, LANES)] = si
        oj[pl.ds(base_r, LANES)] = sj
        return carry

    lax.fori_loop(0, BPW // LANES, group, 0)

    pltpu.sync_copy(oi, out_i_hbm.at[pl.ds(wid * BPW, BPW)])
    pltpu.sync_copy(oj, out_j_hbm.at[pl.ds(wid * BPW, BPW)])


@jax.jit
def _sc_bpr(user3, ii3, ij3, uw, iw):
    f32 = jnp.float32
    call = pl.kernel(
        _body,
        out_type=(jax.ShapeDtypeStruct((B,), f32),
                  jax.ShapeDtypeStruct((B,), f32)),
        mesh=plsc.VectorSubcoreMesh(
            core_axis_name="c", subcore_axis_name="s",
            num_cores=NC, num_subcores=NS),
        scratch_types=[
            pltpu.VMEM((NCH, CH), jnp.int32),
            pltpu.VMEM((NCH, CH), jnp.int32),
            pltpu.VMEM((NCH, CH), jnp.int32),
            pltpu.VMEM((BPW, D), f32),
            pltpu.VMEM((BPW, D), f32),
            pltpu.VMEM((BPW, D), f32),
            pltpu.VMEM((LANES * LANES,), f32),
            pltpu.VMEM((LANES * LANES,), f32),
            pltpu.VMEM((BPW,), f32),
            pltpu.VMEM((BPW,), f32),
            pltpu.SemaphoreType.DMA,
        ],
        compiler_params=pltpu.CompilerParams(
            needs_layout_passes=False, use_tc_tiling_on_sc=False),
    )
    return call(user3, ii3, ij3, uw, iw)


def kernel(user, item_i, item_j, embed_user_w, embed_item_w):
    user3 = user.astype(jnp.int32).reshape(NW, NCH, CH)
    ii3 = item_i.astype(jnp.int32).reshape(NW, NCH, CH)
    ij3 = item_j.astype(jnp.int32).reshape(NW, NCH, CH)
    return _sc_bpr(user3, ii3, ij3, embed_user_w, embed_item_w)

# --- scband reference (transcript-rebuilt; emitter-appended) ---
"""Pipeline reference for scband-bpr-5669356834902 (READ-ONLY COPY).

The authoritative reference and input builder live on the scoring server;
editing this copy changes nothing except your own understanding.
"""

import jax, jax.numpy as jnp
import numpy as np

USER_NUM = 1000000
ITEM_NUM = 1000000
FACTOR_NUM = 64
BATCH = 16384

def setup_inputs(seed: int = 0) -> dict:
    key = jax.random.key(seed)
    k_u, k_i, k_j, k_uw, k_iw = jax.random.split(key, 5)
    user = jax.random.randint(k_u, (BATCH,), 0, USER_NUM, dtype=jnp.int64 if jax.config.jax_enable_x64 else jnp.int32)
    item_i = jax.random.randint(k_i, (BATCH,), 0, ITEM_NUM, dtype=jnp.int64 if jax.config.jax_enable_x64 else jnp.int32)
    item_j = jax.random.randint(k_j, (BATCH,), 0, ITEM_NUM, dtype=jnp.int64 if jax.config.jax_enable_x64 else jnp.int32)
    embed_user_w = jax.random.normal(k_uw, (USER_NUM, FACTOR_NUM), dtype=jnp.float32) * 0.01
    embed_item_w = jax.random.normal(k_iw, (ITEM_NUM, FACTOR_NUM), dtype=jnp.float32) * 0.01
    return {"user": user, "item_i": item_i, "item_j": item_j,
            "embed_user_w": embed_user_w, "embed_item_w": embed_item_w}

def reference(user, item_i, item_j, embed_user_w, embed_item_w):
    u = jnp.take(embed_user_w, user, axis=0)
    vi = jnp.take(embed_item_w, item_i, axis=0)
    vj = jnp.take(embed_item_w, item_j, axis=0)
    prediction_i = (u * vi).sum(axis=-1)
    prediction_j = (u * vj).sum(axis=-1)
    return (prediction_i, prediction_j)

if __name__ == "__main__":
    import jax
    _d = setup_inputs()
    print(jax.jit(kernel)(*tuple(_d.values())))

</pallas_src>

<mosaic_0001>
#map = affine_map<(d0, d1) -> (0, 0, 0)>
#map1 = affine_map<(d0, d1) -> (0, 0)>
#map2 = affine_map<(d0, d1) -> (0)>
module attributes {stable_mosaic.version = 14 : i64} {
  func.func @_body(%arg0: i32, %arg1: i32, %arg2: memref<32x4x128xi32, #tpu.memory_space<hbm>>, %arg3: memref<32x4x128xi32, #tpu.memory_space<hbm>>, %arg4: memref<32x4x128xi32, #tpu.memory_space<hbm>>, %arg5: memref<1000000x64xf32, #tpu.memory_space<hbm>>, %arg6: memref<1000000x64xf32, #tpu.memory_space<hbm>>, %arg7: memref<16384xf32, #tpu.memory_space<hbm>>, %arg8: memref<16384xf32, #tpu.memory_space<hbm>>, %arg9: memref<4x128xi32, #tpu.memory_space<vmem>>, %arg10: memref<4x128xi32, #tpu.memory_space<vmem>>, %arg11: memref<4x128xi32, #tpu.memory_space<vmem>>, %arg12: memref<512x64xf32, #tpu.memory_space<vmem>>, %arg13: memref<512x64xf32, #tpu.memory_space<vmem>>, %arg14: memref<512x64xf32, #tpu.memory_space<vmem>>, %arg15: memref<256xf32, #tpu.memory_space<vmem>>, %arg16: memref<256xf32, #tpu.memory_space<vmem>>, %arg17: memref<512xf32, #tpu.memory_space<vmem>>, %arg18: memref<512xf32, #tpu.memory_space<vmem>>, %arg19: memref<!tpu.dma_semaphore, #tpu.memory_space<semaphore_mem>>) attributes {dimension_semantics = [#tpu.dimension_semantics<core_parallel>, #tpu.dimension_semantics<subcore_parallel>], iteration_bounds = array<i64: 2, 16>, scalar_prefetch = 0 : i64, scratch_operands = 11 : i64, tpu.core_type = #tpu.core_type<sc_vector_subcore>, window_params = [{transform_indices = #map}, {transform_indices = #map}, {transform_indices = #map}, {transform_indices = #map1}, {transform_indices = #map1}, {transform_indices = #map2}, {transform_indices = #map2}]} {
    %mul3A = arith.constant 2 : i32
    %mul3A_0 = arith.muli %arg1, %mul3A : i32
    %add3A = arith.addi %mul3A_0, %arg0 : i32
    "tpu.region"() ({
      %run_scoped3A = tpu.sem_alloc : memref<!tpu.dma_semaphore, #tpu.memory_space<semaphore_mem>>
      %dma_start3A_248 = arith.constant 0 : i32
      %dma_start3A_249 = arith.constant 0 : i32
      %dma_start3A_250 = tpu.memref_slice %arg2[%add3A, %dma_start3A_248, %dma_start3A_249] : memref<32x4x128xi32, #tpu.memory_space<hbm>> -> memref<1x4x128xi32, #tpu.memory_space<hbm>>
      %dma_start3A_251 = tpu.memref_squeeze %dma_start3A_250 : memref<1x4x128xi32, #tpu.memory_space<hbm>> -> memref<4x128xi32, #tpu.memory_space<hbm>>
      %dma_start3A_252 = arith.constant 0 : i32
      %dma_start3A_253 = arith.constant 0 : i32
      %dma_start3A_254 = tpu.memref_slice %arg2[%add3A, %dma_start3A_252, %dma_start3A_253] : memref<32x4x128xi32, #tpu.memory_space<hbm>> -> memref<1x4x128xi32, #tpu.memory_space<hbm>>
      %dma_start3A_255 = tpu.memref_squeeze %dma_start3A_254 : memref<1x4x128xi32, #tpu.memory_space<hbm>> -> memref<4x128xi32, #tpu.memory_space<hbm>>
      tpu.enqueue_dma source(%dma_start3A_255 : memref<4x128xi32, #tpu.memory_space<hbm>>) target(%arg9 : memref<4x128xi32, #tpu.memory_space<vmem>>) target_semaphore(%run_scoped3A : memref<!tpu.dma_semaphore, #tpu.memory_space<semaphore_mem>>)
      %dma_wait3A_256 = arith.constant 0 : i32
      %dma_wait3A_257 = arith.constant 0 : i32
      %dma_wait3A_258 = tpu.memref_slice %arg2[%add3A, %dma_wait3A_256, %dma_wait3A_257] : memref<32x4x128xi32, #tpu.memory_space<hbm>> -> memref<1x4x128xi32, #tpu.memory_space<hbm>>
      %dma_wait3A_259 = tpu.memref_squeeze %dma_wait3A_258 : memref<1x4x128xi32, #tpu.memory_space<hbm>> -> memref<4x128xi32, #tpu.memory_space<hbm>>
      %dma_wait3A_260 = arith.constant 0 : i32
      %dma_wait3A_261 = arith.constant 0 : i32
      %dma_wait3A_262 = tpu.memref_slice %arg2[%add3A, %dma_wait3A_260, %dma_wait3A_261] : memref<32x4x128xi32, #tpu.memory_space<hbm>> -> memref<1x4x128xi32, #tpu.memory_space<hbm>>
      %dma_wait3A_263 = tpu.memref_squeeze %dma_wait3A_262 : memref<1x4x128xi32, #tpu.memory_space<hbm>> -> memref<4x128xi32, #tpu.memory_space<hbm>>
      tpu.wait_dma2 semaphore(%run_scoped3A : memref<!tpu.dma_semaphore, #tpu.memory_space<semaphore_mem>>) src(%dma_wait3A_263 : memref<4x128xi32, #tpu.memory_space<hbm>>) dst(%arg9 : memref<4x128xi32, #tpu.memory_space<vmem>>)
      tpu.yield
    }) : () -> ()
    "tpu.region"() ({
      %run_scoped3A = tpu.sem_alloc : memref<!tpu.dma_semaphore, #tpu.memory_space<semaphore_mem>>
      %dma_start3A_248 = arith.constant 0 : i32
      %dma_start3A_249 = arith.constant 0 : i32
      %dma_start3A_250 = tpu.memref_slice %arg3[%add3A, %dma_start3A_248, %dma_start3A_249] : memref<32x4x128xi32, #tpu.memory_space<hbm>> -> memref<1x4x128xi32, #tpu.memory_space<hbm>>
      %dma_start3A_251 = tpu.memref_squeeze %dma_start3A_250 : memref<1x4x128xi32, #tpu.memory_space<hbm>> -> memref<4x128xi32, #tpu.memory_space<hbm>>
      %dma_start3A_252 = arith.constant 0 : i32
      %dma_start3A_253 = arith.constant 0 : i32
      %dma_start3A_254 = tpu.memref_slice %arg3[%add3A, %dma_start3A_252, %dma_start3A_253] : memref<32x4x128xi32, #tpu.memory_space<hbm>> -> memref<1x4x128xi32, #tpu.memory_space<hbm>>
      %dma_start3A_255 = tpu.memref_squeeze %dma_start3A_254 : memref<1x4x128xi32, #tpu.memory_space<hbm>> -> memref<4x128xi32, #tpu.memory_space<hbm>>
      tpu.enqueue_dma source(%dma_start3A_255 : memref<4x128xi32, #tpu.memory_space<hbm>>) target(%arg10 : memref<4x128xi32, #tpu.memory_space<vmem>>) target_semaphore(%run_scoped3A : memref<!tpu.dma_semaphore, #tpu.memory_space<semaphore_mem>>)
      %dma_wait3A_256 = arith.constant 0 : i32
      %dma_wait3A_257 = arith.constant 0 : i32
      %dma_wait3A_258 = tpu.memref_slice %arg3[%add3A, %dma_wait3A_256, %dma_wait3A_257] : memref<32x4x128xi32, #tpu.memory_space<hbm>> -> memref<1x4x128xi32, #tpu.memory_space<hbm>>
      %dma_wait3A_259 = tpu.memref_squeeze %dma_wait3A_258 : memref<1x4x128xi32, #tpu.memory_space<hbm>> -> memref<4x128xi32, #tpu.memory_space<hbm>>
      %dma_wait3A_260 = arith.constant 0 : i32
      %dma_wait3A_261 = arith.constant 0 : i32
      %dma_wait3A_262 = tpu.memref_slice %arg3[%add3A, %dma_wait3A_260, %dma_wait3A_261] : memref<32x4x128xi32, #tpu.memory_space<hbm>> -> memref<1x4x128xi32, #tpu.memory_space<hbm>>
      %dma_wait3A_263 = tpu.memref_squeeze %dma_wait3A_262 : memref<1x4x128xi32, #tpu.memory_space<hbm>> -> memref<4x128xi32, #tpu.memory_space<hbm>>
      tpu.wait_dma2 semaphore(%run_scoped3A : memref<!tpu.dma_semaphore, #tpu.memory_space<semaphore_mem>>) src(%dma_wait3A_263 : memref<4x128xi32, #tpu.memory_space<hbm>>) dst(%arg10 : memref<4x128xi32, #tpu.memory_space<vmem>>)
      tpu.yield
    }) : () -> ()
    "tpu.region"() ({
      %run_scoped3A = tpu.sem_alloc : memref<!tpu.dma_semaphore, #tpu.memory_space<semaphore_mem>>
      %dma_start3A_248 = arith.constant 0 : i32
      %dma_start3A_249 = arith.constant 0 : i32
      %dma_start3A_250 = tpu.memref_slice %arg4[%add3A, %dma_start3A_248, %dma_start3A_249] : memref<32x4x128xi32, #tpu.memory_space<hbm>> -> memref<1x4x128xi32, #tpu.memory_space<hbm>>
      %dma_start3A_251 = tpu.memref_squeeze %dma_start3A_250 : memref<1x4x128xi32, #tpu.memory_space<hbm>> -> memref<4x128xi32, #tpu.memory_space<hbm>>
      %dma_start3A_252 = arith.constant 0 : i32
      %dma_start3A_253 = arith.constant 0 : i32
      %dma_start3A_254 = tpu.memref_slice %arg4[%add3A, %dma_start3A_252, %dma_start3A_253] : memref<32x4x128xi32, #tpu.memory_space<hbm>> -> memref<1x4x128xi32, #tpu.memory_space<hbm>>
      %dma_start3A_255 = tpu.memref_squeeze %dma_start3A_254 : memref<1x4x128xi32, #tpu.memory_space<hbm>> -> memref<4x128xi32, #tpu.memory_space<hbm>>
      tpu.enqueue_dma source(%dma_start3A_255 : memref<4x128xi32, #tpu.memory_space<hbm>>) target(%arg11 : memref<4x128xi32, #tpu.memory_space<vmem>>) target_semaphore(%run_scoped3A : memref<!tpu.dma_semaphore, #tpu.memory_space<semaphore_mem>>)
      %dma_wait3A_256 = arith.constant 0 : i32
      %dma_wait3A_257 = arith.constant 0 : i32
      %dma_wait3A_258 = tpu.memref_slice %arg4[%add3A, %dma_wait3A_256, %dma_wait3A_257] : memref<32x4x128xi32, #tpu.memory_space<hbm>> -> memref<1x4x128xi32, #tpu.memory_space<hbm>>
      %dma_wait3A_259 = tpu.memref_squeeze %dma_wait3A_258 : memref<1x4x128xi32, #tpu.memory_space<hbm>> -> memref<4x128xi32, #tpu.memory_space<hbm>>
      %dma_wait3A_260 = arith.constant 0 : i32
      %dma_wait3A_261 = arith.constant 0 : i32
      %dma_wait3A_262 = tpu.memref_slice %arg4[%add3A, %dma_wait3A_260, %dma_wait3A_261] : memref<32x4x128xi32, #tpu.memory_space<hbm>> -> memref<1x4x128xi32, #tpu.memory_space<hbm>>
      %dma_wait3A_263 = tpu.memref_squeeze %dma_wait3A_262 : memref<1x4x128xi32, #tpu.memory_space<hbm>> -> memref<4x128xi32, #tpu.memory_space<hbm>>
      tpu.wait_dma2 semaphore(%run_scoped3A : memref<!tpu.dma_semaphore, #tpu.memory_space<semaphore_mem>>) src(%dma_wait3A_263 : memref<4x128xi32, #tpu.memory_space<hbm>>) dst(%arg11 : memref<4x128xi32, #tpu.memory_space<vmem>>)
      tpu.yield
    }) : () -> ()
    %dma_start3A = arith.constant 0 : i32
    %dma_start3A_1 = arith.constant 0 : i32
    %dma_start3A_2 = arith.constant 0 : i32
    %dma_start3A_3 = tpu.memref_slice %arg12[%dma_start3A_1, %dma_start3A_2] : memref<512x64xf32, #tpu.memory_space<vmem>> -> memref<128x64xf32, #tpu.memory_space<vmem>>
    %dma_start3A_4 = arith.constant 0 : i32
    %dma_start3A_5 = tpu.memref_slice %arg9[%dma_start3A, %dma_start3A_4] : memref<4x128xi32, #tpu.memory_space<vmem>> -> memref<1x128xi32, #tpu.memory_space<vmem>>
    %dma_start3A_6 = tpu.memref_squeeze %dma_start3A_5 : memref<1x128xi32, #tpu.memory_space<vmem>> -> memref<128xi32, #tpu.memory_space<vmem>>
    %dma_start3A_7 = arith.constant 0 : i32
    %dma_start3A_8 = arith.constant 0 : i32
    %dma_start3A_9 = tpu.memref_slice %arg5[%dma_start3A_7, %dma_start3A_8] : memref<1000000x64xf32, #tpu.memory_space<hbm>> -> memref<1000000x64xf32, #tpu.memory_space<hbm>>
    tpu.enqueue_indirect_dma source(%dma_start3A_9 : memref<1000000x64xf32, #tpu.memory_space<hbm>>) target(%dma_start3A_3 : memref<128x64xf32, #tpu.memory_space<vmem>>) offsets(%dma_start3A_6 : memref<128xi32, #tpu.memory_space<vmem>>) semaphore(%arg19 : memref<!tpu.dma_semaphore, #tpu.memory_space<semaphore_mem>>)
    %dma_start3A_10 = arith.constant 0 : i32
    %dma_start3A_11 = arith.constant 0 : i32
    %dma_start3A_12 = arith.constant 0 : i32
    %dma_start3A_13 = tpu.memref_slice %arg13[%dma_start3A_11, %dma_start3A_12] : memref<512x64xf32, #tpu.memory_space<vmem>> -> memref<128x64xf32, #tpu.memory_space<vmem>>
    %dma_start3A_14 = arith.constant 0 : i32
    %dma_start3A_15 = tpu.memref_slice %arg10[%dma_start3A_10, %dma_start3A_14] : memref<4x128xi32, #tpu.memory_space<vmem>> -> memref<1x128xi32, #tpu.memory_space<vmem>>
    %dma_start3A_16 = tpu.memref_squeeze %dma_start3A_15 : memref<1x128xi32, #tpu.memory_space<vmem>> -> memref<128xi32, #tpu.memory_space<vmem>>
    %dma_start3A_17 = arith.constant 0 : i32
    %dma_start3A_18 = arith.constant 0 : i32
    %dma_start3A_19 = tpu.memref_slice %arg6[%dma_start3A_17, %dma_start3A_18] : memref<1000000x64xf32, #tpu.memory_space<hbm>> -> memref<1000000x64xf32, #tpu.memory_space<hbm>>
    tpu.enqueue_indirect_dma source(%dma_start3A_19 : memref<1000000x64xf32, #tpu.memory_space<hbm>>) target(%dma_start3A_13 : memref<128x64xf32, #tpu.memory_space<vmem>>) offsets(%dma_start3A_16 : memref<128xi32, #tpu.memory_space<vmem>>) semaphore(%arg19 : memref<!tpu.dma_semaphore, #tpu.memory_space<semaphore_mem>>)
    %dma_start3A_20 = arith.constant 0 : i32
    %dma_start3A_21 = arith.constant 0 : i32
    %dma_start3A_22 = arith.constant 0 : i32
    %dma_start3A_23 = tpu.memref_slice %arg14[%dma_start3A_21, %dma_start3A_22] : memref<512x64xf32, #tpu.memory_space<vmem>> -> memref<128x64xf32, #tpu.memory_space<vmem>>
    %dma_start3A_24 = arith.constant 0 : i32
    %dma_start3A_25 = tpu.memref_slice %arg11[%dma_start3A_20, %dma_start3A_24] : memref<4x128xi32, #tpu.memory_space<vmem>> -> memref<1x128xi32, #tpu.memory_space<vmem>>
    %dma_start3A_26 = tpu.memref_squeeze %dma_start3A_25 : memref<1x128xi32, #tpu.memory_space<vmem>> -> memref<128xi32, #tpu.memory_space<vmem>>
    %dma_start3A_27 = arith.constant 0 : i32
    %dma_start3A_28 = arith.constant 0 : i32
    %dma_start3A_29 = tpu.memref_slice %arg6[%dma_start3A_27, %dma_start3A_28] : memref<1000000x64xf32, #tpu.memory_space<hbm>> -> memref<1000000x64xf32, #tpu.memory_space<hbm>>
    tpu.enqueue_indirect_dma source(%dma_start3A_29 : memref<1000000x64xf32, #tpu.memory_space<hbm>>) target(%dma_start3A_23 : memref<128x64xf32, #tpu.memory_space<vmem>>) offsets(%dma_start3A_26 : memref<128xi32, #tpu.memory_space<vmem>>) semaphore(%arg19 : memref<!tpu.dma_semaphore, #tpu.memory_space<semaphore_mem>>)
    %dma_start3A_30 = arith.constant 1 : i32
    %dma_start3A_31 = arith.constant 128 : i32
    %dma_start3A_32 = arith.constant 0 : i32
    %dma_start3A_33 = tpu.memref_slice %arg12[%dma_start3A_31, %dma_start3A_32] : memref<512x64xf32, #tpu.memory_space<vmem>> -> memref<128x64xf32, #tpu.memory_space<vmem>>
    %dma_start3A_34 = arith.constant 0 : i32
    %dma_start3A_35 = tpu.memref_slice %arg9[%dma_start3A_30, %dma_start3A_34] : memref<4x128xi32, #tpu.memory_space<vmem>> -> memref<1x128xi32, #tpu.memory_space<vmem>>
    %dma_start3A_36 = tpu.memref_squeeze %dma_start3A_35 : memref<1x128xi32, #tpu.memory_space<vmem>> -> memref<128xi32, #tpu.memory_space<vmem>>
    %dma_start3A_37 = arith.constant 0 : i32
    %dma_start3A_38 = arith.constant 0 : i32
    %dma_start3A_39 = tpu.memref_slice %arg5[%dma_start3A_37, %dma_start3A_38] : memref<1000000x64xf32, #tpu.memory_space<hbm>> -> memref<1000000x64xf32, #tpu.memory_space<hbm>>
    tpu.enqueue_indirect_dma source(%dma_start3A_39 : memref<1000000x64xf32, #tpu.memory_space<hbm>>) target(%dma_start3A_33 : memref<128x64xf32, #tpu.memory_space<vmem>>) offsets(%dma_start3A_36 : memref<128xi32, #tpu.memory_space<vmem>>) semaphore(%arg19 : memref<!tpu.dma_semaphore, #tpu.memory_space<semaphore_mem>>)
    %dma_start3A_40 = arith.constant 1 : i32
    %dma_start3A_41 = arith.constant 128 : i32
    %dma_start3A_42 = arith.constant 0 : i32
    %dma_start3A_43 = tpu.memref_slice %arg13[%dma_start3A_41, %dma_start3A_42] : memref<512x64xf32, #tpu.memory_space<vmem>> -> memref<128x64xf32, #tpu.memory_space<vmem>>
    %dma_start3A_44 = arith.constant 0 : i32
    %dma_start3A_45 = tpu.memref_slice %arg10[%dma_start3A_40, %dma_start3A_44] : memref<4x128xi32, #tpu.memory_space<vmem>> -> memref<1x128xi32, #tpu.memory_space<vmem>>
    %dma_start3A_46 = tpu.memref_squeeze %dma_start3A_45 : memref<1x128xi32, #tpu.memory_space<vmem>> -> memref<128xi32, #tpu.memory_space<vmem>>
    %dma_start3A_47 = arith.constant 0 : i32
    %dma_start3A_48 = arith.constant 0 : i32
    %dma_start3A_49 = tpu.memref_slice %arg6[%dma_start3A_47, %dma_start3A_48] : memref<1000000x64xf32, #tpu.memory_space<hbm>> -> memref<1000000x64xf32, #tpu.memory_space<hbm>>
    tpu.enqueue_indirect_dma source(%dma_start3A_49 : memref<1000000x64xf32, #tpu.memory_space<hbm>>) target(%dma_start3A_43 : memref<128x64xf32, #tpu.memory_space<vmem>>) offsets(%dma_start3A_46 : memref<128xi32, #tpu.memory_space<vmem>>) semaphore(%arg19 : memref<!tpu.dma_semaphore, #tpu.memory_space<semaphore_mem>>)
    %dma_start3A_50 = arith.constant 1 : i32
    %dma_start3A_51 = arith.constant 128 : i32
    %dma_start3A_52 = arith.constant 0 : i32
    %dma_start3A_53 = tpu.memref_slice %arg14[%dma_start3A_51, %dma_start3A_52] : memref<512x64xf32, #tpu.memory_space<vmem>> -> memref<128x64xf32, #tpu.memory_space<vmem>>
    %dma_start3A_54 = arith.constant 0 : i32
    %dma_start3A_55 = tpu.memref_slice %arg11[%dma_start3A_50, %dma_start3A_54] : memref<4x128xi32, #tpu.memory_space<vmem>> -> memref<1x128xi32, #tpu.memory_space<vmem>>
    %dma_start3A_56 = tpu.memref_squeeze %dma_start3A_55 : memref<1x128xi32, #tpu.memory_space<vmem>> -> memref<128xi32, #tpu.memory_space<vmem>>
    %dma_start3A_57 = arith.constant 0 : i32
    %dma_start3A_58 = arith.constant 0 : i32
    %dma_start3A_59 = tpu.memref_slice %arg6[%dma_start3A_57, %dma_start3A_58] : memref<1000000x64xf32, #tpu.memory_space<hbm>> -> memref<1000000x64xf32, #tpu.memory_space<hbm>>
    tpu.enqueue_indirect_dma source(%dma_start3A_59 : memref<1000000x64xf32, #tpu.memory_space<hbm>>) target(%dma_start3A_53 : memref<128x64xf32, #tpu.memory_space<vmem>>) offsets(%dma_start3A_56 : memref<128xi32, #tpu.memory_space<vmem>>) semaphore(%arg19 : memref<!tpu.dma_semaphore, #tpu.memory_space<semaphore_mem>>)
    %dma_start3A_60 = arith.constant 2 : i32
    %dma_start3A_61 = arith.constant 256 : i32
    %dma_start3A_62 = arith.constant 0 : i32
    %dma_start3A_63 = tpu.memref_slice %arg12[%dma_start3A_61, %dma_start3A_62] : memref<512x64xf32, #tpu.memory_space<vmem>> -> memref<128x64xf32, #tpu.memory_space<vmem>>
    %dma_start3A_64 = arith.constant 0 : i32
    %dma_start3A_65 = tpu.memref_slice %arg9[%dma_start3A_60, %dma_start3A_64] : memref<4x128xi32, #tpu.memory_space<vmem>> -> memref<1x128xi32, #tpu.memory_space<vmem>>
    %dma_start3A_66 = tpu.memref_squeeze %dma_start3A_65 : memref<1x128xi32, #tpu.memory_space<vmem>> -> memref<128xi32, #tpu.memory_space<vmem>>
    %dma_start3A_67 = arith.constant 0 : i32
    %dma_start3A_68 = arith.constant 0 : i32
    %dma_start3A_69 = tpu.memref_slice %arg5[%dma_start3A_67, %dma_start3A_68] : memref<1000000x64xf32, #tpu.memory_space<hbm>> -> memref<1000000x64xf32, #tpu.memory_space<hbm>>
    tpu.enqueue_indirect_dma source(%dma_start3A_69 : memref<1000000x64xf32, #tpu.memory_space<hbm>>) target(%dma_start3A_63 : memref<128x64xf32, #tpu.memory_space<vmem>>) offsets(%dma_start3A_66 : memref<128xi32, #tpu.memory_space<vmem>>) semaphore(%arg19 : memref<!tpu.dma_semaphore, #tpu.memory_space<semaphore_mem>>)
    %dma_start3A_70 = arith.constant 2 : i32
    %dma_start3A_71 = arith.constant 256 : i32
    %dma_start3A_72 = arith.constant 0 : i32
    %dma_start3A_73 = tpu.memref_slice %arg13[%dma_start3A_71, %dma_start3A_72] : memref<512x64xf32, #tpu.memory_space<vmem>> -> memref<128x64xf32, #tpu.memory_space<vmem>>
    %dma_start3A_74 = arith.constant 0 : i32
    %dma_start3A_75 = tpu.memref_slice %arg10[%dma_start3A_70, %dma_start3A_74] : memref<4x128xi32, #tpu.memory_space<vmem>> -> memref<1x128xi32, #tpu.memory_space<vmem>>
    %dma_start3A_76 = tpu.memref_squeeze %dma_start3A_75 : memref<1x128xi32, #tpu.memory_space<vmem>> -> memref<128xi32, #tpu.memory_space<vmem>>
    %dma_start3A_77 = arith.constant 0 : i32
    %dma_start3A_78 = arith.constant 0 : i32
    %dma_start3A_79 = tpu.memref_slice %arg6[%dma_start3A_77, %dma_start3A_78] : memref<1000000x64xf32, #tpu.memory_space<hbm>> -> memref<1000000x64xf32, #tpu.memory_space<hbm>>
    tpu.enqueue_indirect_dma source(%dma_start3A_79 : memref<1000000x64xf32, #tpu.memory_space<hbm>>) target(%dma_start3A_73 : memref<128x64xf32, #tpu.memory_space<vmem>>) offsets(%dma_start3A_76 : memref<128xi32, #tpu.memory_space<vmem>>) semaphore(%arg19 : memref<!tpu.dma_semaphore, #tpu.memory_space<semaphore_mem>>)
    %dma_start3A_80 = arith.constant 2 : i32
    %dma_start3A_81 = arith.constant 256 : i32
    %dma_start3A_82 = arith.constant 0 : i32
    %dma_start3A_83 = tpu.memref_slice %arg14[%dma_start3A_81, %dma_start3A_82] : memref<512x64xf32, #tpu.memory_space<vmem>> -> memref<128x64xf32, #tpu.memory_space<vmem>>
    %dma_start3A_84 = arith.constant 0 : i32
    %dma_start3A_85 = tpu.memref_slice %arg11[%dma_start3A_80, %dma_start3A_84] : memref<4x128xi32, #tpu.memory_space<vmem>> -> memref<1x128xi32, #tpu.memory_space<vmem>>
    %dma_start3A_86 = tpu.memref_squeeze %dma_start3A_85 : memref<1x128xi32, #tpu.memory_space<vmem>> -> memref<128xi32, #tpu.memory_space<vmem>>
    %dma_start3A_87 = arith.constant 0 : i32
    %dma_start3A_88 = arith.constant 0 : i32
    %dma_start3A_89 = tpu.memref_slice %arg6[%dma_start3A_87, %dma_start3A_88] : memref<1000000x64xf32, #tpu.memory_space<hbm>> -> memref<1000000x64xf32, #tpu.memory_space<hbm>>
    tpu.enqueue_indirect_dma source(%dma_start3A_89 : memref<1000000x64xf32, #tpu.memory_space<hbm>>) target(%dma_start3A_83 : memref<128x64xf32, #tpu.memory_space<vmem>>) offsets(%dma_start3A_86 : memref<128xi32, #tpu.memory_space<vmem>>) semaphore(%arg19 : memref<!tpu.dma_semaphore, #tpu.memory_space<semaphore_mem>>)
    %dma_start3A_90 = arith.constant 3 : i32
    %dma_start3A_91 = arith.constant 384 : i32
    %dma_start3A_92 = arith.constant 0 : i32
    %dma_start3A_93 = tpu.memref_slice %arg12[%dma_start3A_91, %dma_start3A_92] : memref<512x64xf32, #tpu.memory_space<vmem>> -> memref<128x64xf32, #tpu.memory_space<vmem>>
    %dma_start3A_94 = arith.constant 0 : i32
    %dma_start3A_95 = tpu.memref_slice %arg9[%dma_start3A_90, %dma_start3A_94] : memref<4x128xi32, #tpu.memory_space<vmem>> -> memref<1x128xi32, #tpu.memory_space<vmem>>
    %dma_start3A_96 = tpu.memref_squeeze %dma_start3A_95 : memref<1x128xi32, #tpu.memory_space<vmem>> -> memref<128xi32, #tpu.memory_space<vmem>>
    %dma_start3A_97 = arith.constant 0 : i32
    %dma_start3A_98 = arith.constant 0 : i32
    %dma_start3A_99 = tpu.memref_slice %arg5[%dma_start3A_97, %dma_start3A_98] : memref<1000000x64xf32, #tpu.memory_space<hbm>> -> memref<1000000x64xf32, #tpu.memory_space<hbm>>
    tpu.enqueue_indirect_dma source(%dma_start3A_99 : memref<1000000x64xf32, #tpu.memory_space<hbm>>) target(%dma_start3A_93 : memref<128x64xf32, #tpu.memory_space<vmem>>) offsets(%dma_start3A_96 : memref<128xi32, #tpu.memory_space<vmem>>) semaphore(%arg19 : memref<!tpu.dma_semaphore, #tpu.memory_space<semaphore_mem>>)
    %dma_start3A_100 = arith.constant 3 : i32
    %dma_start3A_101 = arith.constant 384 : i32
    %dma_start3A_102 = arith.constant 0 : i32
    %dma_start3A_103 = tpu.memref_slice %arg13[%dma_start3A_101, %dma_start3A_102] : memref<512x64xf32, #tpu.memory_space<vmem>> -> memref<128x64xf32, #tpu.memory_space<vmem>>
    %dma_start3A_104 = arith.constant 0 : i32
    %dma_start3A_105 = tpu.memref_slice %arg10[%dma_start3A_100, %dma_start3A_104] : memref<4x128xi32, #tpu.memory_space<vmem>> -> memref<1x128xi32, #tpu.memory_space<vmem>>
    %dma_start3A_106 = tpu.memref_squeeze %dma_start3A_105 : memref<1x128xi32, #tpu.memory_space<vmem>> -> memref<128xi32, #tpu.memory_space<vmem>>
    %dma_start3A_107 = arith.constant 0 : i32
    %dma_start3A_108 = arith.constant 0 : i32
    %dma_start3A_109 = tpu.memref_slice %arg6[%dma_start3A_107, %dma_start3A_108] : memref<1000000x64xf32, #tpu.memory_space<hbm>> -> memref<1000000x64xf32, #tpu.memory_space<hbm>>
    tpu.enqueue_indirect_dma source(%dma_start3A_109 : memref<1000000x64xf32, #tpu.memory_space<hbm>>) target(%dma_start3A_103 : memref<128x64xf32, #tpu.memory_space<vmem>>) offsets(%dma_start3A_106 : memref<128xi32, #tpu.memory_space<vmem>>) semaphore(%arg19 : memref<!tpu.dma_semaphore, #tpu.memory_space<semaphore_mem>>)
    %dma_start3A_110 = arith.constant 3 : i32
    %dma_start3A_111 = arith.constant 384 : i32
    %dma_start3A_112 = arith.constant 0 : i32
    %dma_start3A_113 = tpu.memref_slice %arg14[%dma_start3A_111, %dma_start3A_112] : memref<512x64xf32, #tpu.memory_space<vmem>> -> memref<128x64xf32, #tpu.memory_space<vmem>>
    %dma_start3A_114 = arith.constant 0 : i32
    %dma_start3A_115 = tpu.memref_slice %arg11[%dma_start3A_110, %dma_start3A_114] : memref<4x128xi32, #tpu.memory_space<vmem>> -> memref<1x128xi32, #tpu.memory_space<vmem>>
    %dma_start3A_116 = tpu.memref_squeeze %dma_start3A_115 : memref<1x128xi32, #tpu.memory_space<vmem>> -> memref<128xi32, #tpu.memory_space<vmem>>
    %dma_start3A_117 = arith.constant 0 : i32
    %dma_start3A_118 = arith.constant 0 : i32
    %dma_start3A_119 = tpu.memref_slice %arg6[%dma_start3A_117, %dma_start3A_118] : memref<1000000x64xf32, #tpu.memory_space<hbm>> -> memref<1000000x64xf32, #tpu.memory_space<hbm>>
    tpu.enqueue_indirect_dma source(%dma_start3A_119 : memref<1000000x64xf32, #tpu.memory_space<hbm>>) target(%dma_start3A_113 : memref<128x64xf32, #tpu.memory_space<vmem>>) offsets(%dma_start3A_116 : memref<128xi32, #tpu.memory_space<vmem>>) semaphore(%arg19 : memref<!tpu.dma_semaphore, #tpu.memory_space<semaphore_mem>>)
    %dma_wait3A = arith.constant 0 : i32
    %dma_wait3A_120 = arith.constant 0 : i32
    %dma_wait3A_121 = arith.constant 0 : i32
    %dma_wait3A_122 = tpu.memref_slice %arg12[%dma_wait3A_120, %dma_wait3A_121] : memref<512x64xf32, #tpu.memory_space<vmem>> -> memref<128x64xf32, #tpu.memory_space<vmem>>
    %dma_wait3A_123 = arith.constant 0 : i32
    %dma_wait3A_124 = tpu.memref_slice %arg9[%dma_wait3A, %dma_wait3A_123] : memref<4x128xi32, #tpu.memory_space<vmem>> -> memref<1x128xi32, #tpu.memory_space<vmem>>
    %dma_wait3A_125 = tpu.memref_squeeze %dma_wait3A_124 : memref<1x128xi32, #tpu.memory_space<vmem>> -> memref<128xi32, #tpu.memory_space<vmem>>
    %dma_wait3A_126 = arith.constant 0 : i32
    %dma_wait3A_127 = arith.constant 0 : i32
    %dma_wait3A_128 = tpu.memref_slice %arg5[%dma_wait3A_126, %dma_wait3A_127] : memref<1000000x64xf32, #tpu.memory_space<hbm>> -> memref<1000000x64xf32, #tpu.memory_space<hbm>>
    tpu.wait_indirect_dma semaphore(%arg19 : memref<!tpu.dma_semaphore, #tpu.memory_space<semaphore_mem>>) src(%dma_wait3A_128 : memref<1000000x64xf32, #tpu.memory_space<hbm>>) dst(%dma_wait3A_122 : memref<128x64xf32, #tpu.memory_space<vmem>>)
    %dma_wait3A_129 = arith.constant 0 : i32
    %dma_wait3A_130 = arith.constant 0 : i32
    %dma_wait3A_131 = arith.constant 0 : i32
    %dma_wait3A_132 = tpu.memref_slice %arg13[%dma_wait3A_130, %dma_wait3A_131] : memref<512x64xf32, #tpu.memory_space<vmem>> -> memref<128x64xf32, #tpu.memory_space<vmem>>
    %dma_wait3A_133 = arith.constant 0 : i32
    %dma_wait3A_134 = tpu.memref_slice %arg10[%dma_wait3A_129, %dma_wait3A_133] : memref<4x128xi32, #tpu.memory_space<vmem>> -> memref<1x128xi32, #tpu.memory_space<vmem>>
    %dma_wait3A_135 = tpu.memref_squeeze %dma_wait3A_134 : memref<1x128xi32, #tpu.memory_space<vmem>> -> memref<128xi32, #tpu.memory_space<vmem>>
    %dma_wait3A_136 = arith.constant 0 : i32
    %dma_wait3A_137 = arith.constant 0 : i32
    %dma_wait3A_138 = tpu.memref_slice %arg6[%dma_wait3A_136, %dma_wait3A_137] : memref<1000000x64xf32, #tpu.memory_space<hbm>> -> memref<1000000x64xf32, #tpu.memory_space<hbm>>
    tpu.wait_indirect_dma semaphore(%arg19 : memref<!tpu.dma_semaphore, #tpu.memory_space<semaphore_mem>>) src(%dma_wait3A_138 : memref<1000000x64xf32, #tpu.memory_space<hbm>>) dst(%dma_wait3A_132 : memref<128x64xf32, #tpu.memory_space<vmem>>)
    %dma_wait3A_139 = arith.constant 0 : i32
    %dma_wait3A_140 = arith.constant 0 : i32
    %dma_wait3A_141 = arith.constant 0 : i32
    %dma_wait3A_142 = tpu.memref_slice %arg14[%dma_wait3A_140, %dma_wait3A_141] : memref<512x64xf32, #tpu.memory_space<vmem>> -> memref<128x64xf32, #tpu.memory_space<vmem>>
    %dma_wait3A_143 = arith.constant 0 : i32
    %dma_wait3A_144 = tpu.memref_slice %arg11[%dma_wait3A_139, %dma_wait3A_143] : memref<4x128xi32, #tpu.memory_space<vmem>> -> memref<1x128xi32, #tpu.memory_space<vmem>>
    %dma_wait3A_145 = tpu.memref_squeeze %dma_wait3A_144 : memref<1x128xi32, #tpu.memory_space<vmem>> -> memref<128xi32, #tpu.memory_space<vmem>>
    %dma_wait3A_146 = arith.constant 0 : i32
    %dma_wait3A_147 = arith.constant 0 : i32
    %dma_wait3A_148 = tpu.memref_slice %arg6[%dma_wait3A_146, %dma_wait3A_147] : memref<1000000x64xf32, #tpu.memory_space<hbm>> -> memref<1000000x64xf32, #tpu.memory_space<hbm>>
    tpu.wait_indirect_dma semaphore(%arg19 : memref<!tpu.dma_semaphore, #tpu.memory_space<semaphore_mem>>) src(%dma_wait3A_148 : memref<1000000x64xf32, #tpu.memory_space<hbm>>) dst(%dma_wait3A_142 : memref<128x64xf32, #tpu.memory_space<vmem>>)
    %dma_wait3A_149 = arith.constant 1 : i32
    %dma_wait3A_150 = arith.constant 128 : i32
    %dma_wait3A_151 = arith.constant 0 : i32
    %dma_wait3A_152 = tpu.memref_slice %arg12[%dma_wait3A_150, %dma_wait3A_151] : memref<512x64xf32, #tpu.memory_space<vmem>> -> memref<128x64xf32, #tpu.memory_space<vmem>>
    %dma_wait3A_153 = arith.constant 0 : i32
    %dma_wait3A_154 = tpu.memref_slice %arg9[%dma_wait3A_149, %dma_wait3A_153] : memref<4x128xi32, #tpu.memory_space<vmem>> -> memref<1x128xi32, #tpu.memory_space<vmem>>
    %dma_wait3A_155 = tpu.memref_squeeze %dma_wait3A_154 : memref<1x128xi32, #tpu.memory_space<vmem>> -> memref<128xi32, #tpu.memory_space<vmem>>
    %dma_wait3A_156 = arith.constant 0 : i32
    %dma_wait3A_157 = arith.constant 0 : i32
    %dma_wait3A_158 = tpu.memref_slice %arg5[%dma_wait3A_156, %dma_wait3A_157] : memref<1000000x64xf32, #tpu.memory_space<hbm>> -> memref<1000000x64xf32, #tpu.memory_space<hbm>>
    tpu.wait_indirect_dma semaphore(%arg19 : memref<!tpu.dma_semaphore, #tpu.memory_space<semaphore_mem>>) src(%dma_wait3A_158 : memref<1000000x64xf32, #tpu.memory_space<hbm>>) dst(%dma_wait3A_152 : memref<128x64xf32, #tpu.memory_space<vmem>>)
    %dma_wait3A_159 = arith.constant 1 : i32
    %dma_wait3A_160 = arith.constant 128 : i32
    %dma_wait3A_161 = arith.constant 0 : i32
    %dma_wait3A_162 = tpu.memref_slice %arg13[%dma_wait3A_160, %dma_wait3A_161] : memref<512x64xf32, #tpu.memory_space<vmem>> -> memref<128x64xf32, #tpu.memory_space<vmem>>
    %dma_wait3A_163 = arith.constant 0 : i32
    %dma_wait3A_164 = tpu.memref_slice %arg10[%dma_wait3A_159, %dma_wait3A_163] : memref<4x128xi32, #tpu.memory_space<vmem>> -> memref<1x128xi32, #tpu.memory_space<vmem>>
    %dma_wait3A_165 = tpu.memref_squeeze %dma_wait3A_164 : memref<1x128xi32, #tpu.memory_space<vmem>> -> memref<128xi32, #tpu.memory_space<vmem>>
    %dma_wait3A_166 = arith.constant 0 : i32
    %dma_wait3A_167 = arith.constant 0 : i32
    %dma_wait3A_168 = tpu.memref_slice %arg6[%dma_wait3A_166, %dma_wait3A_167] : memref<1000000x64xf32, #tpu.memory_space<hbm>> -> memref<1000000x64xf32, #tpu.memory_space<hbm>>
    tpu.wait_indirect_dma semaphore(%arg19 : memref<!tpu.dma_semaphore, #tpu.memory_space<semaphore_mem>>) src(%dma_wait3A_168 : memref<1000000x64xf32, #tpu.memory_space<hbm>>) dst(%dma_wait3A_162 : memref<128x64xf32, #tpu.memory_space<vmem>>)
    %dma_wait3A_169 = arith.constant 1 : i32
    %dma_wait3A_170 = arith.constant 128 : i32
    %dma_wait3A_171 = arith.constant 0 : i32
    %dma_wait3A_172 = tpu.memref_slice %arg14[%dma_wait3A_170, %dma_wait3A_171] : memref<512x64xf32, #tpu.memory_space<vmem>> -> memref<128x64xf32, #tpu.memory_space<vmem>>
    %dma_wait3A_173 = arith.constant 0 : i32
    %dma_wait3A_174 = tpu.memref_slice %arg11[%dma_wait3A_169, %dma_wait3A_173] : memref<4x128xi32, #tpu.memory_space<vmem>> -> memref<1x128xi32, #tpu.memory_space<vmem>>
    %dma_wait3A_175 = tpu.memref_squeeze %dma_wait3A_174 : memref<1x128xi32, #tpu.memory_space<vmem>> -> memref<128xi32, #tpu.memory_space<vmem>>
    %dma_wait3A_176 = arith.constant 0 : i32
    %dma_wait3A_177 = arith.constant 0 : i32
    %dma_wait3A_178 = tpu.memref_slice %arg6[%dma_wait3A_176, %dma_wait3A_177] : memref<1000000x64xf32, #tpu.memory_space<hbm>> -> memref<1000000x64xf32, #tpu.memory_space<hbm>>
    tpu.wait_indirect_dma semaphore(%arg19 : memref<!tpu.dma_semaphore, #tpu.memory_space<semaphore_mem>>) src(%dma_wait3A_178 : memref<1000000x64xf32, #tpu.memory_space<hbm>>) dst(%dma_wait3A_172 : memref<128x64xf32, #tpu.memory_space<vmem>>)
    %dma_wait3A_179 = arith.constant 2 : i32
    %dma_wait3A_180 = arith.constant 256 : i32
    %dma_wait3A_181 = arith.constant 0 : i32
    %dma_wait3A_182 = tpu.memref_slice %arg12[%dma_wait3A_180, %dma_wait3A_181] : memref<512x64xf32, #tpu.memory_space<vmem>> -> memref<128x64xf32, #tpu.memory_space<vmem>>
    %dma_wait3A_183 = arith.constant 0 : i32
    %dma_wait3A_184 = tpu.memref_slice %arg9[%dma_wait3A_179, %dma_wait3A_183] : memref<4x128xi32, #tpu.memory_space<vmem>> -> memref<1x128xi32, #tpu.memory_space<vmem>>
    %dma_wait3A_185 = tpu.memref_squeeze %dma_wait3A_184 : memref<1x128xi32, #tpu.memory_space<vmem>> -> memref<128xi32, #tpu.memory_space<vmem>>
    %dma_wait3A_186 = arith.constant 0 : i32
    %dma_wait3A_187 = arith.constant 0 : i32
    %dma_wait3A_188 = tpu.memref_slice %arg5[%dma_wait3A_186, %dma_wait3A_187] : memref<1000000x64xf32, #tpu.memory_space<hbm>> -> memref<1000000x64xf32, #tpu.memory_space<hbm>>
    tpu.wait_indirect_dma semaphore(%arg19 : memref<!tpu.dma_semaphore, #tpu.memory_space<semaphore_mem>>) src(%dma_wait3A_188 : memref<1000000x64xf32, #tpu.memory_space<hbm>>) dst(%dma_wait3A_182 : memref<128x64xf32, #tpu.memory_space<vmem>>)
    %dma_wait3A_189 = arith.constant 2 : i32
    %dma_wait3A_190 = arith.constant 256 : i32
    %dma_wait3A_191 = arith.constant 0 : i32
    %dma_wait3A_192 = tpu.memref_slice %arg13[%dma_wait3A_190, %dma_wait3A_191] : memref<512x64xf32, #tpu.memory_space<vmem>> -> memref<128x64xf32, #tpu.memory_space<vmem>>
    %dma_wait3A_193 = arith.constant 0 : i32
    %dma_wait3A_194 = tpu.memref_slice %arg10[%dma_wait3A_189, %dma_wait3A_193] : memref<4x128xi32, #tpu.memory_space<vmem>> -> memref<1x128xi32, #tpu.memory_space<vmem>>
    %dma_wait3A_195 = tpu.memref_squeeze %dma_wait3A_194 : memref<1x128xi32, #tpu.memory_space<vmem>> -> memref<128xi32, #tpu.memory_space<vmem>>
    %dma_wait3A_196 = arith.constant 0 : i32
    %dma_wait3A_197 = arith.constant 0 : i32
    %dma_wait3A_198 = tpu.memref_slice %arg6[%dma_wait3A_196, %dma_wait3A_197] : memref<1000000x64xf32, #tpu.memory_space<hbm>> -> memref<1000000x64xf32, #tpu.memory_space<hbm>>
    tpu.wait_indirect_dma semaphore(%arg19 : memref<!tpu.dma_semaphore, #tpu.memory_space<semaphore_mem>>) src(%dma_wait3A_198 : memref<1000000x64xf32, #tpu.memory_space<hbm>>) dst(%dma_wait3A_192 : memref<128x64xf32, #tpu.memory_space<vmem>>)
    %dma_wait3A_199 = arith.constant 2 : i32
    %dma_wait3A_200 = arith.constant 256 : i32
    %dma_wait3A_201 = arith.constant 0 : i32
    %dma_wait3A_202 = tpu.memref_slice %arg14[%dma_wait3A_200, %dma_wait3A_201] : memref<512x64xf32, #tpu.memory_space<vmem>> -> memref<128x64xf32, #tpu.memory_space<vmem>>
    %dma_wait3A_203 = arith.constant 0 : i32
    %dma_wait3A_204 = tpu.memref_slice %arg11[%dma_wait3A_199, %dma_wait3A_203] : memref<4x128xi32, #tpu.memory_space<vmem>> -> memref<1x128xi32, #tpu.memory_space<vmem>>
    %dma_wait3A_205 = tpu.memref_squeeze %dma_wait3A_204 : memref<1x128xi32, #tpu.memory_space<vmem>> -> memref<128xi32, #tpu.memory_space<vmem>>
    %dma_wait3A_206 = arith.constant 0 : i32
    %dma_wait3A_207 = arith.constant 0 : i32
    %dma_wait3A_208 = tpu.memref_slice %arg6[%dma_wait3A_206, %dma_wait3A_207] : memref<1000000x64xf32, #tpu.memory_space<hbm>> -> memref<1000000x64xf32, #tpu.memory_space<hbm>>
    tpu.wait_indirect_dma semaphore(%arg19 : memref<!tpu.dma_semaphore, #tpu.memory_space<semaphore_mem>>) src(%dma_wait3A_208 : memref<1000000x64xf32, #tpu.memory_space<hbm>>) dst(%dma_wait3A_202 : memref<128x64xf32, #tpu.memory_space<vmem>>)
    %dma_wait3A_209 = arith.constant 3 : i32
    %dma_wait3A_210 = arith.constant 384 : i32
    %dma_wait3A_211 = arith.constant 0 : i32
    %dma_wait3A_212 = tpu.memref_slice %arg12[%dma_wait3A_210, %dma_wait3A_211] : memref<512x64xf32, #tpu.memory_space<vmem>> -> memref<128x64xf32, #tpu.memory_space<vmem>>
    %dma_wait3A_213 = arith.constant 0 : i32
    %dma_wait3A_214 = tpu.memref_slice %arg9[%dma_wait3A_209, %dma_wait3A_213] : memref<4x128xi32, #tpu.memory_space<vmem>> -> memref<1x128xi32, #tpu.memory_space<vmem>>
    %dma_wait3A_215 = tpu.memref_squeeze %dma_wait3A_214 : memref<1x128xi32, #tpu.memory_space<vmem>> -> memref<128xi32, #tpu.memory_space<vmem>>
    %dma_wait3A_216 = arith.constant 0 : i32
    %dma_wait3A_217 = arith.constant 0 : i32
    %dma_wait3A_218 = tpu.memref_slice %arg5[%dma_wait3A_216, %dma_wait3A_217] : memref<1000000x64xf32, #tpu.memory_space<hbm>> -> memref<1000000x64xf32, #tpu.memory_space<hbm>>
    tpu.wait_indirect_dma semaphore(%arg19 : memref<!tpu.dma_semaphore, #tpu.memory_space<semaphore_mem>>) src(%dma_wait3A_218 : memref<1000000x64xf32, #tpu.memory_space<hbm>>) dst(%dma_wait3A_212 : memref<128x64xf32, #tpu.memory_space<vmem>>)
    %dma_wait3A_219 = arith.constant 3 : i32
    %dma_wait3A_220 = arith.constant 384 : i32
    %dma_wait3A_221 = arith.constant 0 : i32
    %dma_wait3A_222 = tpu.memref_slice %arg13[%dma_wait3A_220, %dma_wait3A_221] : memref<512x64xf32, #tpu.memory_space<vmem>> -> memref<128x64xf32, #tpu.memory_space<vmem>>
    %dma_wait3A_223 = arith.constant 0 : i32
    %dma_wait3A_224 = tpu.memref_slice %arg10[%dma_wait3A_219, %dma_wait3A_223] : memref<4x128xi32, #tpu.memory_space<vmem>> -> memref<1x128xi32, #tpu.memory_space<vmem>>
    %dma_wait3A_225 = tpu.memref_squeeze %dma_wait3A_224 : memref<1x128xi32, #tpu.memory_space<vmem>> -> memref<128xi32, #tpu.memory_space<vmem>>
    %dma_wait3A_226 = arith.constant 0 : i32
    %dma_wait3A_227 = arith.constant 0 : i32
    %dma_wait3A_228 = tpu.memref_slice %arg6[%dma_wait3A_226, %dma_wait3A_227] : memref<1000000x64xf32, #tpu.memory_space<hbm>> -> memref<1000000x64xf32, #tpu.memory_space<hbm>>
    tpu.wait_indirect_dma semaphore(%arg19 : memref<!tpu.dma_semaphore, #tpu.memory_space<semaphore_mem>>) src(%dma_wait3A_228 : memref<1000000x64xf32, #tpu.memory_space<hbm>>) dst(%dma_wait3A_222 : memref<128x64xf32, #tpu.memory_space<vmem>>)
    %dma_wait3A_229 = arith.constant 3 : i32
    %dma_wait3A_230 = arith.constant 384 : i32
    %dma_wait3A_231 = arith.constant 0 : i32
    %dma_wait3A_232 = tpu.memref_slice %arg14[%dma_wait3A_230, %dma_wait3A_231] : memref<512x64xf32, #tpu.memory_space<vmem>> -> memref<128x64xf32, #tpu.memory_space<vmem>>
    %dma_wait3A_233 = arith.constant 0 : i32
    %dma_wait3A_234 = tpu.memref_slice %arg11[%dma_wait3A_229, %dma_wait3A_233] : memref<4x128xi32, #tpu.memory_space<vmem>> -> memref<1x128xi32, #tpu.memory_space<vmem>>
    %dma_wait3A_235 = tpu.memref_squeeze %dma_wait3A_234 : memref<1x128xi32, #tpu.memory_space<vmem>> -> memref<128xi32, #tpu.memory_space<vmem>>
    %dma_wait3A_236 = arith.constant 0 : i32
    %dma_wait3A_237 = arith.constant 0 : i32
    %dma_wait3A_238 = tpu.memref_slice %arg6[%dma_wait3A_236, %dma_wait3A_237] : memref<1000000x64xf32, #tpu.memory_space<hbm>> -> memref<1000000x64xf32, #tpu.memory_space<hbm>>
    tpu.wait_indirect_dma semaphore(%arg19 : memref<!tpu.dma_semaphore, #tpu.memory_space<semaphore_mem>>) src(%dma_wait3A_238 : memref<1000000x64xf32, #tpu.memory_space<hbm>>) dst(%dma_wait3A_232 : memref<128x64xf32, #tpu.memory_space<vmem>>)
    %iota3A = tpu.iota {dimensions = array<i32: 0>} : vector<16xi32>
    %scan3A = arith.constant 0 : i32
    %scan3A_239 = arith.constant 0 : i32
    %scan3A_240 = arith.constant 32 : i32
    %scan3A_241 = arith.addi %scan3A_239, %scan3A_240 : i32
    %scan3A_242 = arith.constant 1 : i32
    scf.for %scan3A_248 = %scan3A_239 to %scan3A_241 step %scan3A_242  : i32 {
      %mul3A_249 = arith.constant 16 : i32
      %mul3A_250 = arith.muli %scan3A_248, %mul3A_249 : i32
      %add3A_251 = arith.constant 0 : i32
      %add3A_252 = arith.addi %mul3A_250, %add3A_251 : i32
      %get3A = arith.index_cast %add3A_252 : i32 to index
      %get3A_253 = arith.constant 0 : index
      %get3A_254 = tpu.vector_load %arg12[%get3A, %get3A_253] {strides = array<i32>} : memref<512x64xf32, #tpu.memory_space<vmem>>, vector<16xf32>,
      %get3A_255 = arith.index_cast %add3A_252 : i32 to index
      %get3A_256 = arith.constant 0 : index
      %get3A_257 = tpu.vector_load %arg13[%get3A_255, %get3A_256] {strides = array<i32>} : memref<512x64xf32, #tpu.memory_space<vmem>>, vector<16xf32>,
      %mul3A_258 = arith.mulf %get3A_254, %get3A_257 : vector<16xf32>
      %get3A_259 = arith.index_cast %add3A_252 : i32 to index
      %get3A_260 = arith.constant 0 : index
      %get3A_261 = tpu.vector_load %arg12[%get3A_259, %get3A_260] {strides = array<i32>} : memref<512x64xf32, #tpu.memory_space<vmem>>, vector<16xf32>,
      %get3A_262 = arith.index_cast %add3A_252 : i32 to index
      %get3A_263 = arith.constant 0 : index
      %get3A_264 = tpu.vector_load %arg14[%get3A_262, %get3A_263] {strides = array<i32>} : memref<512x64xf32, #tpu.memory_space<vmem>>, vector<16xf32>,
      %mul3A_265 = arith.mulf %get3A_261, %get3A_264 : vector<16xf32>
      %get3A_266 = arith.index_cast %add3A_252 : i32 to index
      %get3A_267 = arith.constant 16 : index
      %get3A_268 = tpu.vector_load %arg12[%get3A_266, %get3A_267] {strides = array<i32>} : memref<512x64xf32, #tpu.memory_space<vmem>>, vector<16xf32>,
      %get3A_269 = arith.index_cast %add3A_252 : i32 to index
      %get3A_270 = arith.constant 16 : index
      %get3A_271 = tpu.vector_load %arg13[%get3A_269, %get3A_270] {strides = array<i32>} : memref<512x64xf32, #tpu.memory_space<vmem>>, vector<16xf32>,
      %mul3A_272 = arith.mulf %get3A_268, %get3A_271 : vector<16xf32>
      %add3A_273 = arith.addf %mul3A_258, %mul3A_272 : vector<16xf32>
      %get3A_274 = arith.index_cast %add3A_252 : i32 to index
      %get3A_275 = arith.constant 16 : index
      %get3A_276 = tpu.vector_load %arg14[%get3A_274, %get3A_275] {strides = array<i32>} : memref<512x64xf32, #tpu.memory_space<vmem>>, vector<16xf32>,
      %mul3A_277 = arith.mulf %get3A_268, %get3A_276 : vector<16xf32>
      %add3A_278 = arith.addf %mul3A_265, %mul3A_277 : vector<16xf32>
      %get3A_279 = arith.index_cast %add3A_252 : i32 to index
      %get3A_280 = arith.constant 32 : index
      %get3A_281 = tpu.vector_load %arg12[%get3A_279, %get3A_280] {strides = array<i32>} : memref<512x64xf32, #tpu.memory_space<vmem>>, vector<16xf32>,
      %get3A_282 = arith.index_cast %add3A_252 : i32 to index
      %get3A_283 = arith.constant 32 : index
      %get3A_284 = tpu.vector_load %arg13[%get3A_282, %get3A_283] {strides = array<i32>} : memref<512x64xf32, #tpu.memory_space<vmem>>, vector<16xf32>,
      %mul3A_285 = arith.mulf %get3A_281, %get3A_284 : vector<16xf32>
      %add3A_286 = arith.addf %add3A_273, %mul3A_285 : vector<16xf32>
      %get3A_287 = arith.index_cast %add3A_252 : i32 to index
      %get3A_288 = arith.constant 32 : index
      %get3A_289 = tpu.vector_load %arg14[%get3A_287, %get3A_288] {strides = array<i32>} : memref<512x64xf32, #tpu.memory_space<vmem>>, vector<16xf32>,
      %mul3A_290 = arith.mulf %get3A_281, %get3A_289 : vector<16xf32>
      %add3A_291 = arith.addf %add3A_278, %mul3A_290 : vector<16xf32>
      %get3A_292 = arith.index_cast %add3A_252 : i32 to index
      %get3A_293 = arith.constant 48 : index
      %get3A_294 = tpu.vector_load %arg12[%get3A_292, %get3A_293] {strides = array<i32>} : memref<512x64xf32, #tpu.memory_space<vmem>>, vector<16xf32>,
      %get3A_295 = arith.index_cast %add3A_252 : i32 to index
      %get3A_296 = arith.constant 48 : index
      %get3A_297 = tpu.vector_load %arg13[%get3A_295, %get3A_296] {strides = array<i32>} : memref<512x64xf32, #tpu.memory_space<vmem>>, vector<16xf32>,
      %mul3A_298 = arith.mulf %get3A_294, %get3A_297 : vector<16xf32>
      %add3A_299 = arith.addf %add3A_286, %mul3A_298 : vector<16xf32>
      %get3A_300 = arith.index_cast %add3A_252 : i32 to index
      %get3A_301 = arith.constant 48 : index
      %get3A_302 = tpu.vector_load %arg14[%get3A_300, %get3A_301] {strides = array<i32>} : memref<512x64xf32, #tpu.memory_space<vmem>>, vector<16xf32>,
      %mul3A_303 = arith.mulf %get3A_294, %get3A_302 : vector<16xf32>
      %add3A_304 = arith.addf %add3A_291, %mul3A_303 : vector<16xf32>
      %mul3A_305 = arith.constant 16 : i32
      %mul3A_306 = vector.broadcast %mul3A_305 : i32 to vector<16xi32>
      %mul3A_307 = arith.muli %iota3A, %mul3A_306 : vector<16xi32>
      %add3A_308 = arith.constant 0 : i32
      %add3A_309 = vector.broadcast %add3A_308 : i32 to vector<16xi32>
      %add3A_310 = arith.addi %mul3A_307, %add3A_309 : vector<16xi32>
      tpu.vector_store_idx %arg15[%add3A_310], %add3A_299 : memref<256xf32, #tpu.memory_space<vmem>>[vector<16xi32>], vector<16xf32>,
      tpu.vector_store_idx %arg16[%add3A_310], %add3A_304 : memref<256xf32, #tpu.memory_space<vmem>>[vector<16xi32>], vector<16xf32>,
      %add3A_311 = arith.constant 1 : i32
      %add3A_312 = arith.addi %mul3A_250, %add3A_311 : i32
      %get3A_313 = arith.index_cast %add3A_312 : i32 to index
      %get3A_314 = arith.constant 0 : index
      %get3A_315 = tpu.vector_load %arg12[%get3A_313, %get3A_314] {strides = array<i32>} : memref<512x64xf32, #tpu.memory_space<vmem>>, vector<16xf32>,
      %get3A_316 = arith.index_cast %add3A_312 : i32 to index
      %get3A_317 = arith.constant 0 : index
      %get3A_318 = tpu.vector_load %arg13[%get3A_316, %get3A_317] {strides = array<i32>} : memref<512x64xf32, #tpu.memory_space<vmem>>, vector<16xf32>,
      %mul3A_319 = arith.mulf %get3A_315, %get3A_318 : vector<16xf32>
      %get3A_320 = arith.index_cast %add3A_312 : i32 to index
      %get3A_321 = arith.constant 0 : index
      %get3A_322 = tpu.vector_load %arg12[%get3A_320, %get3A_321] {strides = array<i32>} : memref<512x64xf32, #tpu.memory_space<vmem>>, vector<16xf32>,
      %get3A_323 = arith.index_cast %add3A_312 : i32 to index
      %get3A_324 = arith.constant 0 : index
      %get3A_325 = tpu.vector_load %arg14[%get3A_323, %get3A_324] {strides = array<i32>} : memref<512x64xf32, #tpu.memory_space<vmem>>, vector<16xf32>,
      %mul3A_326 = arith.mulf %get3A_322, %get3A_325 : vector<16xf32>
      %get3A_327 = arith.index_cast %add3A_312 : i32 to index
      %get3A_328 = arith.constant 16 : index
      %get3A_329 = tpu.vector_load %arg12[%get3A_327, %get3A_328] {strides = array<i32>} : memref<512x64xf32, #tpu.memory_space<vmem>>, vector<16xf32>,
      %get3A_330 = arith.index_cast %add3A_312 : i32 to index
      %get3A_331 = arith.constant 16 : index
      %get3A_332 = tpu.vector_load %arg13[%get3A_330, %get3A_331] {strides = array<i32>} : memref<512x64xf32, #tpu.memory_space<vmem>>, vector<16xf32>,
      %mul3A_333 = arith.mulf %get3A_329, %get3A_332 : vector<16xf32>
      %add3A_334 = arith.addf %mul3A_319, %mul3A_333 : vector<16xf32>
      %get3A_335 = arith.index_cast %add3A_312 : i32 to index
      %get3A_336 = arith.constant 16 : index
      %get3A_337 = tpu.vector_load %arg14[%get3A_335, %get3A_336] {strides = array<i32>} : memref<512x64xf32, #tpu.memory_space<vmem>>, vector<16xf32>,
      %mul3A_338 = arith.mulf %get3A_329, %get3A_337 : vector<16xf32>
      %add3A_339 = arith.addf %mul3A_326, %mul3A_338 : vector<16xf32>
      %get3A_340 = arith.index_cast %add3A_312 : i32 to index
      %get3A_341 = arith.constant 32 : index
      %get3A_342 = tpu.vector_load %arg12[%get3A_340, %get3A_341] {strides = array<i32>} : memref<512x64xf32, #tpu.memory_space<vmem>>, vector<16xf32>,
      %get3A_343 = arith.index_cast %add3A_312 : i32 to index
      %get3A_344 = arith.constant 32 : index
      %get3A_345 = tpu.vector_load %arg13[%get3A_343, %get3A_344] {strides = array<i32>} : memref<512x64xf32, #tpu.memory_space<vmem>>, vector<16xf32>,
      %mul3A_346 = arith.mulf %get3A_342, %get3A_345 : vector<16xf32>
      %add3A_347 = arith.addf %add3A_334, %mul3A_346 : vector<16xf32>
      %get3A_348 = arith.index_cast %add3A_312 : i32 to index
      %get3A_349 = arith.constant 32 : index
      %get3A_350 = tpu.vector_load %arg14[%get3A_348, %get3A_349] {strides = array<i32>} : memref<512x64xf32, #tpu.memory_space<vmem>>, vector<16xf32>,
      %mul3A_351 = arith.mulf %get3A_342, %get3A_350 : vector<16xf32>
      %add3A_352 = arith.addf %add3A_339, %mul3A_351 : vector<16xf32>
      %get3A_353 = arith.index_cast %add3A_312 : i32 to index
      %get3A_354 = arith.constant 48 : index
      %get3A_355 = tpu.vector_load %arg12[%get3A_353, %get3A_354] {strides = array<i32>} : memref<512x64xf32, #tpu.memory_space<vmem>>, vector<16xf32>,
      %get3A_356 = arith.index_cast %add3A_312 : i32 to index
      %get3A_357 = arith.constant 48 : index
      %get3A_358 = tpu.vector_load %arg13[%get3A_356, %get3A_357] {strides = array<i32>} : memref<512x64xf32, #tpu.memory_space<vmem>>, vector<16xf32>,
      %mul3A_359 = arith.mulf %get3A_355, %get3A_358 : vector<16xf32>
      %add3A_360 = arith.addf %add3A_347, %mul3A_359 : vector<16xf32>
      %get3A_361 = arith.index_cast %add3A_312 : i32 to index
      %get3A_362 = arith.constant 48 : index
      %get3A_363 = tpu.vector_load %arg14[%get3A_361, %get3A_362] {strides = array<i32>} : memref<512x64xf32, #tpu.memory_space<vmem>>, vector<16xf32>,
      %mul3A_364 = arith.mulf %get3A_355, %get3A_363 : vector<16xf32>
      %add3A_365 = arith.addf %add3A_352, %mul3A_364 : vector<16xf32>
      %mul3A_366 = arith.constant 16 : i32
      %mul3A_367 = vector.broadcast %mul3A_366 : i32 to vector<16xi32>
      %mul3A_368 = arith.muli %iota3A, %mul3A_367 : vector<16xi32>
      %add3A_369 = arith.constant 1 : i32
      %add3A_370 = vector.broadcast %add3A_369 : i32 to vector<16xi32>
      %add3A_371 = arith.addi %mul3A_368, %add3A_370 : vector<16xi32>
      tpu.vector_store_idx %arg15[%add3A_371], %add3A_360 : memref<256xf32, #tpu.memory_space<vmem>>[vector<16xi32>], vector<16xf32>,
      tpu.vector_store_idx %arg16[%add3A_371], %add3A_365 : memref<256xf32, #tpu.memory_space<vmem>>[vector<16xi32>], vector<16xf32>,
      %add3A_372 = arith.constant 2 : i32
      %add3A_373 = arith.addi %mul3A_250, %add3A_372 : i32
      %get3A_374 = arith.index_cast %add3A_373 : i32 to index
      %get3A_375 = arith.constant 0 : index
      %get3A_376 = tpu.vector_load %arg12[%get3A_374, %get3A_375] {strides = array<i32>} : memref<512x64xf32, #tpu.memory_space<vmem>>, vector<16xf32>,
      %get3A_377 = arith.index_cast %add3A_373 : i32 to index
      %get3A_378 = arith.constant 0 : index
      %get3A_379 = tpu.vector_load %arg13[%get3A_377, %get3A_378] {strides = array<i32>} : memref<512x64xf32, #tpu.memory_space<vmem>>, vector<16xf32>,
      %mul3A_380 = arith.mulf %get3A_376, %get3A_379 : vector<16xf32>
      %get3A_381 = arith.index_cast %add3A_373 : i32 to index
      %get3A_382 = arith.constant 0 : index
      %get3A_383 = tpu.vector_load %arg12[%get3A_381, %get3A_382] {strides = array<i32>} : memref<512x64xf32, #tpu.memory_space<vmem>>, vector<16xf32>,
      %get3A_384 = arith.index_cast %add3A_373 : i32 to index
      %get3A_385 = arith.constant 0 : index
      %get3A_386 = tpu.vector_load %arg14[%get3A_384, %get3A_385] {strides = array<i32>} : memref<512x64xf32, #tpu.memory_space<vmem>>, vector<16xf32>,
      %mul3A_387 = arith.mulf %get3A_383, %get3A_386 : vector<16xf32>
      %get3A_388 = arith.index_cast %add3A_373 : i32 to index
      %get3A_389 = arith.constant 16 : index
      %get3A_390 = tpu.vector_load %arg12[%get3A_388, %get3A_389] {strides = array<i32>} : memref<512x64xf32, #tpu.memory_space<vmem>>, vector<16xf32>,
      %get3A_391 = arith.index_cast %add3A_373 : i32 to index
      %get3A_392 = arith.constant 16 : index
      %get3A_393 = tpu.vector_load %arg13[%get3A_391, %get3A_392] {strides = array<i32>} : memref<512x64xf32, #tpu.memory_space<vmem>>, vector<16xf32>,
      %mul3A_394 = arith.mulf %get3A_390, %get3A_393 : vector<16xf32>
      %add3A_395 = arith.addf %mul3A_380, %mul3A_394 : vector<16xf32>
      %get3A_396 = arith.index_cast %add3A_373 : i32 to index
      %get3A_397 = arith.constant 16 : index
      %get3A_398 = tpu.vector_load %arg14[%get3A_396, %get3A_397] {strides = array<i32>} : memref<512x64xf32, #tpu.memory_space<vmem>>, vector<16xf32>,
      %mul3A_399 = arith.mulf %get3A_390, %get3A_398 : vector<16xf32>
      %add3A_400 = arith.addf %mul3A_387, %mul3A_399 : vector<16xf32>
      %get3A_401 = arith.index_cast %add3A_373 : i32 to index
      %get3A_402 = arith.constant 32 : index
      %get3A_403 = tpu.vector_load %arg12[%get3A_401, %get3A_402] {strides = array<i32>} : memref<512x64xf32, #tpu.memory_space<vmem>>, vector<16xf32>,
      %get3A_404 = arith.index_cast %add3A_373 : i32 to index
      %get3A_405 = arith.constant 32 : index
      %get3A_406 = tpu.vector_load %arg13[%get3A_404, %get3A_405] {strides = array<i32>} : memref<512x64xf32, #tpu.memory_space<vmem>>, vector<16xf32>,
      %mul3A_407 = arith.mulf %get3A_403, %get3A_406 : vector<16xf32>
      %add3A_408 = arith.addf %add3A_395, %mul3A_407 : vector<16xf32>
      %get3A_409 = arith.index_cast %add3A_373 : i32 to index
      %get3A_410 = arith.constant 32 : index
      %get3A_411 = tpu.vector_load %arg14[%get3A_409, %get3A_410] {strides = array<i32>} : memref<512x64xf32, #tpu.memory_space<vmem>>, vector<16xf32>,
      %mul3A_412 = arith.mulf %get3A_403, %get3A_411 : vector<16xf32>
      %add3A_413 = arith.addf %add3A_400, %mul3A_412 : vector<16xf32>
      %get3A_414 = arith.index_cast %add3A_373 : i32 to index
      %get3A_415 = arith.constant 48 : index
      %get3A_416 = tpu.vector_load %arg12[%get3A_414, %get3A_415] {strides = array<i32>} : memref<512x64xf32, #tpu.memory_space<vmem>>, vector<16xf32>,
      %get3A_417 = arith.index_cast %add3A_373 : i32 to index
      %get3A_418 = arith.constant 48 : index
      %get3A_419 = tpu.vector_load %arg13[%get3A_417, %get3A_418] {strides = array<i32>} : memref<512x64xf32, #tpu.memory_space<vmem>>, vector<16xf32>,
      %mul3A_420 = arith.mulf %get3A_416, %get3A_419 : vector<16xf32>
      %add3A_421 = arith.addf %add3A_408, %mul3A_420 : vector<16xf32>
      %get3A_422 = arith.index_cast %add3A_373 : i32 to index
      %get3A_423 = arith.constant 48 : index
      %get3A_424 = tpu.vector_load %arg14[%get3A_422, %get3A_423] {strides = array<i32>} : memref<512x64xf32, #tpu.memory_space<vmem>>, vector<16xf32>,
      %mul3A_425 = arith.mulf %get3A_416, %get3A_424 : vector<16xf32>
      %add3A_426 = arith.addf %add3A_413, %mul3A_425 : vector<16xf32>
      %mul3A_427 = arith.constant 16 : i32
      %mul3A_428 = vector.broadcast %mul3A_427 : i32 to vector<16xi32>
      %mul3A_429 = arith.muli %iota3A, %mul3A_428 : vector<16xi32>
      %add3A_430 = arith.constant 2 : i32
      %add3A_431 = vector.broadcast %add3A_430 : i32 to vector<16xi32>
      %add3A_432 = arith.addi %mul3A_429, %add3A_431 : vector<16xi32>
      tpu.vector_store_idx %arg15[%add3A_432], %add3A_421 : memref<256xf32, #tpu.memory_space<vmem>>[vector<16xi32>], vector<16xf32>,
      tpu.vector_store_idx %arg16[%add3A_432], %add3A_426 : memref<256xf32, #tpu.memory_space<vmem>>[vector<16xi32>], vector<16xf32>,
      %add3A_433 = arith.constant 3 : i32
      %add3A_434 = arith.addi %mul3A_250, %add3A_433 : i32
      %get3A_435 = arith.index_cast %add3A_434 : i32 to index
      %get3A_436 = arith.constant 0 : index
      %get3A_437 = tpu.vector_load %arg12[%get3A_435, %get3A_436] {strides = array<i32>} : memref<512x64xf32, #tpu.memory_space<vmem>>, vector<16xf32>,
      %get3A_438 = arith.index_cast %add3A_434 : i32 to index
      %get3A_439 = arith.constant 0 : index
      %get3A_440 = tpu.vector_load %arg13[%get3A_438, %get3A_439] {strides = array<i32>} : memref<512x64xf32, #tpu.memory_space<vmem>>, vector<16xf32>,
      %mul3A_441 = arith.mulf %get3A_437, %get3A_440 : vector<16xf32>
      %get3A_442 = arith.index_cast %add3A_434 : i32 to index
      %get3A_443 = arith.constant 0 : index
      %get3A_444 = tpu.vector_load %arg12[%get3A_442, %get3A_443] {strides = array<i32>} : memref<512x64xf32, #tpu.memory_space<vmem>>, vector<16xf32>,
      %get3A_445 = arith.index_cast %add3A_434 : i32 to index
      %get3A_446 = arith.constant 0 : index
      %get3A_447 = tpu.vector_load %arg14[%get3A_445, %get3A_446] {strides = array<i32>} : memref<512x64xf32, #tpu.memory_space<vmem>>, vector<16xf32>,
      %mul3A_448 = arith.mulf %get3A_444, %get3A_447 : vector<16xf32>
      %get3A_449 = arith.index_cast %add3A_434 : i32 to index
      %get3A_450 = arith.constant 16 : index
      %get3A_451 = tpu.vector_load %arg12[%get3A_449, %get3A_450] {strides = array<i32>} : memref<512x64xf32, #tpu.memory_space<vmem>>, vector<16xf32>,
      %get3A_452 = arith.index_cast %add3A_434 : i32 to index
      %get3A_453 = arith.constant 16 : index
      %get3A_454 = tpu.vector_load %arg13[%get3A_452, %get3A_453] {strides = array<i32>} : memref<512x64xf32, #tpu.memory_space<vmem>>, vector<16xf32>,
      %mul3A_455 = arith.mulf %get3A_451, %get3A_454 : vector<16xf32>
      %add3A_456 = arith.addf %mul3A_441, %mul3A_455 : vector<16xf32>
      %get3A_457 = arith.index_cast %add3A_434 : i32 to index
      %get3A_458 = arith.constant 16 : index
      %get3A_459 = tpu.vector_load %arg14[%get3A_457, %get3A_458] {strides = array<i32>} : memref<512x64xf32, #tpu.memory_space<vmem>>, vector<16xf32>,
      %mul3A_460 = arith.mulf %get3A_451, %get3A_459 : vector<16xf32>
      %add3A_461 = arith.addf %mul3A_448, %mul3A_460 : vector<16xf32>
      %get3A_462 = arith.index_cast %add3A_434 : i32 to index
      %get3A_463 = arith.constant 32 : index
      %get3A_464 = tpu.vector_load %arg12[%get3A_462, %get3A_463] {strides = array<i32>} : memref<512x64xf32, #tpu.memory_space<vmem>>, vector<16xf32>,
      %get3A_465 = arith.index_cast %add3A_434 : i32 to index
      %get3A_466 = arith.constant 32 : index
      %get3A_467 = tpu.vector_load %arg13[%get3A_465, %get3A_466] {strides = array<i32>} : memref<512x64xf32, #tpu.memory_space<vmem>>, vector<16xf32>,
      %mul3A_468 = arith.mulf %get3A_464, %get3A_467 : vector<16xf32>
      %add3A_469 = arith.addf %add3A_456, %mul3A_468 : vector<16xf32>
      %get3A_470 = arith.index_cast %add3A_434 : i32 to index
      %get3A_471 = arith.constant 32 : index
      %get3A_472 = tpu.vector_load %arg14[%get3A_470, %get3A_471] {strides = array<i32>} : memref<512x64xf32, #tpu.memory_space<vmem>>, vector<16xf32>,
      %mul3A_473 = arith.mulf %get3A_464, %get3A_472 : vector<16xf32>
      %add3A_474 = arith.addf %add3A_461, %mul3A_473 : vector<16xf32>
      %get3A_475 = arith.index_cast %add3A_434 : i32 to index
      %get3A_476 = arith.constant 48 : index
      %get3A_477 = tpu.vector_load %arg12[%get3A_475, %get3A_476] {strides = array<i32>} : memref<512x64xf32, #tpu.memory_space<vmem>>, vector<16xf32>,
      %get3A_478 = arith.index_cast %add3A_434 : i32 to index
      %get3A_479 = arith.constant 48 : index
      %get3A_480 = tpu.vector_load %arg13[%get3A_478, %get3A_479] {strides = array<i32>} : memref<512x64xf32, #tpu.memory_space<vmem>>, vector<16xf32>,
      %mul3A_481 = arith.mulf %get3A_477, %get3A_480 : vector<16xf32>
      %add3A_482 = arith.addf %add3A_469, %mul3A_481 : vector<16xf32>
      %get3A_483 = arith.index_cast %add3A_434 : i32 to index
      %get3A_484 = arith.constant 48 : index
      %get3A_485 = tpu.vector_load %arg14[%get3A_483, %get3A_484] {strides = array<i32>} : memref<512x64xf32, #tpu.memory_space<vmem>>, vector<16xf32>,
      %mul3A_486 = arith.mulf %get3A_477, %get3A_485 : vector<16xf32>
      %add3A_487 = arith.addf %add3A_474, %mul3A_486 : vector<16xf32>
      %mul3A_488 = arith.constant 16 : i32
      %mul3A_489 = vector.broadcast %mul3A_488 : i32 to vector<16xi32>
      %mul3A_490 = arith.muli %iota3A, %mul3A_489 : vector<16xi32>
      %add3A_491 = arith.constant 3 : i32
      %add3A_492 = vector.broadcast %add3A_491 : i32 to vector<16xi32>
      %add3A_493 = arith.addi %mul3A_490, %add3A_492 : vector<16xi32>
      tpu.vector_store_idx %arg15[%add3A_493], %add3A_482 : memref<256xf32, #tpu.memory_space<vmem>>[vector<16xi32>], vector<16xf32>,
      tpu.vector_store_idx %arg16[%add3A_493], %add3A_487 : memref<256xf32, #tpu.memory_space<vmem>>[vector<16xi32>], vector<16xf32>,
      %add3A_494 = arith.constant 4 : i32
      %add3A_495 = arith.addi %mul3A_250, %add3A_494 : i32
      %get3A_496 = arith.index_cast %add3A_495 : i32 to index
      %get3A_497 = arith.constant 0 : index
      %get3A_498 = tpu.vector_load %arg12[%get3A_496, %get3A_497] {strides = array<i32>} : memref<512x64xf32, #tpu.memory_space<vmem>>, vector<16xf32>,
      %get3A_499 = arith.index_cast %add3A_495 : i32 to index
      %get3A_500 = arith.constant 0 : index
      %get3A_501 = tpu.vector_load %arg13[%get3A_499, %get3A_500] {strides = array<i32>} : memref<512x64xf32, #tpu.memory_space<vmem>>, vector<16xf32>,
      %mul3A_502 = arith.mulf %get3A_498, %get3A_501 : vector<16xf32>
      %get3A_503 = arith.index_cast %add3A_495 : i32 to index
      %get3A_504 = arith.constant 0 : index
      %get3A_505 = tpu.vector_load %arg12[%get3A_503, %get3A_504] {strides = array<i32>} : memref<512x64xf32, #tpu.memory_space<vmem>>, vector<16xf32>,
      %get3A_506 = arith.index_cast %add3A_495 : i32 to index
      %get3A_507 = arith.constant 0 : index
      %get3A_508 = tpu.vector_load %arg14[%get3A_506, %get3A_507] {strides = array<i32>} : memref<512x64xf32, #tpu.memory_space<vmem>>, vector<16xf32>,
      %mul3A_509 = arith.mulf %get3A_505, %get3A_508 : vector<16xf32>
      %get3A_510 = arith.index_cast %add3A_495 : i32 to index
      %get3A_511 = arith.constant 16 : index
      %get3A_512 = tpu.vector_load %arg12[%get3A_510, %get3A_511] {strides = array<i32>} : memref<512x64xf32, #tpu.memory_space<vmem>>, vector<16xf32>,
      %get3A_513 = arith.index_cast %add3A_495 : i32 to index
      %get3A_514 = arith.constant 16 : index
      %get3A_515 = tpu.vector_load %arg13[%get3A_513, %get3A_514] {strides = array<i32>} : memref<512x64xf32, #tpu.memory_space<vmem>>, vector<16xf32>,
      %mul3A_516 = arith.mulf %get3A_512, %get3A_515 : vector<16xf32>
      %add3A_517 = arith.addf %mul3A_502, %mul3A_516 : vector<16xf32>
      %get3A_518 = arith.index_cast %add3A_495 : i32 to index
      %get3A_519 = arith.constant 16 : index
      %get3A_520 = tpu.vector_load %arg14[%get3A_518, %get3A_519] {strides = array<i32>} : memref<512x64xf32, #tpu.memory_space<vmem>>, vector<16xf32>,
      %mul3A_521 = arith.mulf %get3A_512, %get3A_520 : vector<16xf32>
      %add3A_522 = arith.addf %mul3A_509, %mul3A_521 : vector<16xf32>
      %get3A_523 = arith.index_cast %add3A_495 : i32 to index
      %get3A_524 = arith.constant 32 : index
      %get3A_525 = tpu.vector_load %arg12[%get3A_523, %get3A_524] {strides = array<i32>} : memref<512x64xf32, #tpu.memory_space<vmem>>, vector<16xf32>,
      %get3A_526 = arith.index_cast %add3A_495 : i32 to index
      %get3A_527 = arith.constant 32 : index
      %get3A_528 = tpu.vector_load %arg13[%get3A_526, %get3A_527] {strides = array<i32>} : memref<512x64xf32, #tpu.memory_space<vmem>>, vector<16xf32>,
      %mul3A_529 = arith.mulf %get3A_525, %get3A_528 : vector<16xf32>
      %add3A_530 = arith.addf %add3A_517, %mul3A_529 : vector<16xf32>
      %get3A_531 = arith.index_cast %add3A_495 : i32 to index
      %get3A_532 = arith.constant 32 : index
      %get3A_533 = tpu.vector_load %arg14[%get3A_531, %get3A_532] {strides = array<i32>} : memref<512x64xf32, #tpu.memory_space<vmem>>, vector<16xf32>,
      %mul3A_534 = arith.mulf %get3A_525, %get3A_533 : vector<16xf32>
      %add3A_535 = arith.addf %add3A_522, %mul3A_534 : vector<16xf32>
      %get3A_536 = arith.index_cast %add3A_495 : i32 to index
      %get3A_537 = arith.constant 48 : index
      %get3A_538 = tpu.vector_load %arg12[%get3A_536, %get3A_537] {strides = array<i32>} : memref<512x64xf32, #tpu.memory_space<vmem>>, vector<16xf32>,
      %get3A_539 = arith.index_cast %add3A_495 : i32 to index
      %get3A_540 = arith.constant 48 : index
      %get3A_541 = tpu.vector_load %arg13[%get3A_539, %get3A_540] {strides = array<i32>} : memref<512x64xf32, #tpu.memory_space<vmem>>, vector<16xf32>,
      %mul3A_542 = arith.mulf %get3A_538, %get3A_541 : vector<16xf32>
      %add3A_543 = arith.addf %add3A_530, %mul3A_542 : vector<16xf32>
      %get3A_544 = arith.index_cast %add3A_495 : i32 to index
      %get3A_545 = arith.constant 48 : index
      %get3A_546 = tpu.vector_load %arg14[%get3A_544, %get3A_545] {strides = array<i32>} : memref<512x64xf32, #tpu.memory_space<vmem>>, vector<16xf32>,
      %mul3A_547 = arith.mulf %get3A_538, %get3A_546 : vector<16xf32>
      %add3A_548 = arith.addf %add3A_535, %mul3A_547 : vector<16xf32>
      %mul3A_549 = arith.constant 16 : i32
      %mul3A_550 = vector.broadcast %mul3A_549 : i32 to vector<16xi32>
      %mul3A_551 = arith.muli %iota3A, %mul3A_550 : vector<16xi32>
      %add3A_552 = arith.constant 4 : i32
      %add3A_553 = vector.broadcast %add3A_552 : i32 to vector<16xi32>
      %add3A_554 = arith.addi %mul3A_551, %add3A_553 : vector<16xi32>
      tpu.vector_store_idx %arg15[%add3A_554], %add3A_543 : memref<256xf32, #tpu.memory_space<vmem>>[vector<16xi32>], vector<16xf32>,
      tpu.vector_store_idx %arg16[%add3A_554], %add3A_548 : memref<256xf32, #tpu.memory_space<vmem>>[vector<16xi32>], vector<16xf32>,
      %add3A_555 = arith.constant 5 : i32
      %add3A_556 = arith.addi %mul3A_250, %add3A_555 : i32
      %get3A_557 = arith.index_cast %add3A_556 : i32 to index
      %get3A_558 = arith.constant 0 : index
      %get3A_559 = tpu.vector_load %arg12[%get3A_557, %get3A_558] {strides = array<i32>} : memref<512x64xf32, #tpu.memory_space<vmem>>, vector<16xf32>,
      %get3A_560 = arith.index_cast %add3A_556 : i32 to index
      %get3A_561 = arith.constant 0 : index
      %get3A_562 = tpu.vector_load %arg13[%get3A_560, %get3A_561] {strides = array<i32>} : memref<512x64xf32, #tpu.memory_space<vmem>>, vector<16xf32>,
      %mul3A_563 = arith.mulf %get3A_559, %get3A_562 : vector<16xf32>
      %get3A_564 = arith.index_cast %add3A_556 : i32 to index
      %get3A_565 = arith.constant 0 : index
      %get3A_566 = tpu.vector_load %arg12[%get3A_564, %get3A_565] {strides = array<i32>} : memref<512x64xf32, #tpu.memory_space<vmem>>, vector<16xf32>,
      %get3A_567 = arith.index_cast %add3A_556 : i32 to index
      %get3A_568 = arith.constant 0 : index
      %get3A_569 = tpu.vector_load %arg14[%get3A_567, %get3A_568] {strides = array<i32>} : memref<512x64xf32, #tpu.memory_space<vmem>>, vector<16xf32>,
      %mul3A_570 = arith.mulf %get3A_566, %get3A_569 : vector<16xf32>
      %get3A_571 = arith.index_cast %add3A_556 : i32 to index
      %get3A_572 = arith.constant 16 : index
      %get3A_573 = tpu.vector_load %arg12[%get3A_571, %get3A_572] {strides = array<i32>} : memref<512x64xf32, #tpu.memory_space<vmem>>, vector<16xf32>,
      %get3A_574 = arith.index_cast %add3A_556 : i32 to index
      %get3A_575 = arith.constant 16 : index
      %get3A_576 = tpu.vector_load %arg13[%get3A_574, %get3A_575] {strides = array<i32>} : memref<512x64xf32, #tpu.memory_space<vmem>>, vector<16xf32>,
      %mul3A_577 = arith.mulf %get3A_573, %get3A_576 : vector<16xf32>
      %add3A_578 = arith.addf %mul3A_563, %mul3A_577 : vector<16xf32>
      %get3A_579 = arith.index_cast %add3A_556 : i32 to index
      %get3A_580 = arith.constant 16 : index
      %get3A_581 = tpu.vector_load %arg14[%get3A_579, %get3A_580] {strides = array<i32>} : memref<512x64xf32, #tpu.memory_space<vmem>>, vector<16xf32>,
      %mul3A_582 = arith.mulf %get3A_573, %get3A_581 : vector<16xf32>
      %add3A_583 = arith.addf %mul3A_570, %mul3A_582 : vector<16xf32>
      %get3A_584 = arith.index_cast %add3A_556 : i32 to index
      %get3A_585 = arith.constant 32 : index
      %get3A_586 = tpu.vector_load %arg12[%get3A_584, %get3A_585] {strides = array<i32>} : memref<512x64xf32, #tpu.memory_space<vmem>>, vector<16xf32>,
      %get3A_587 = arith.index_cast %add3A_556 : i32 to index
      %get3A_588 = arith.constant 32 : index
      %get3A_589 = tpu.vector_load %arg13[%get3A_587, %get3A_588] {strides = array<i32>} : memref<512x64xf32, #tpu.memory_space<vmem>>, vector<16xf32>,
      %mul3A_590 = arith.mulf %get3A_586, %get3A_589 : vector<16xf32>
      %add3A_591 = arith.addf %add3A_578, %mul3A_590 : vector<16xf32>
      %get3A_592 = arith.index_cast %add3A_556 : i32 to index
      %get3A_593 = arith.constant 32 : index
      %get3A_594 = tpu.vector_load %arg14[%get3A_592, %get3A_593] {strides = array<i32>} : memref<512x64xf32, #tpu.memory_space<vmem>>, vector<16xf32>,
      %mul3A_595 = arith.mulf %get3A_586, %get3A_594 : vector<16xf32>
      %add3A_596 = arith.addf %add3A_583, %mul3A_595 : vector<16xf32>
      %get3A_597 = arith.index_cast %add3A_556 : i32 to index
      %get3A_598 = arith.constant 48 : index
      %get3A_599 = tpu.vector_load %arg12[%get3A_597, %get3A_598] {strides = array<i32>} : memref<512x64xf32, #tpu.memory_space<vmem>>, vector<16xf32>,
      %get3A_600 = arith.index_cast %add3A_556 : i32 to index
      %get3A_601 = arith.constant 48 : index
      %get3A_602 = tpu.vector_load %arg13[%get3A_600, %get3A_601] {strides = array<i32>} : memref<512x64xf32, #tpu.memory_space<vmem>>, vector<16xf32>,
      %mul3A_603 = arith.mulf %get3A_599, %get3A_602 : vector<16xf32>
      %add3A_604 = arith.addf %add3A_591, %mul3A_603 : vector<16xf32>
      %get3A_605 = arith.index_cast %add3A_556 : i32 to index
      %get3A_606 = arith.constant 48 : index
      %get3A_607 = tpu.vector_load %arg14[%get3A_605, %get3A_606] {strides = array<i32>} : memref<512x64xf32, #tpu.memory_space<vmem>>, vector<16xf32>,
      %mul3A_608 = arith.mulf %get3A_599, %get3A_607 : vector<16xf32>
      %add3A_609 = arith.addf %add3A_596, %mul3A_608 : vector<16xf32>
      %mul3A_610 = arith.constant 16 : i32
      %mul3A_611 = vector.broadcast %mul3A_610 : i32 to vector<16xi32>
      %mul3A_612 = arith.muli %iota3A, %mul3A_611 : vector<16xi32>
      %add3A_613 = arith.constant 5 : i32
      %add3A_614 = vector.broadcast %add3A_613 : i32 to vector<16xi32>
      %add3A_615 = arith.addi %mul3A_612, %add3A_614 : vector<16xi32>
      tpu.vector_store_idx %arg15[%add3A_615], %add3A_604 : memref<256xf32, #tpu.memory_space<vmem>>[vector<16xi32>], vector<16xf32>,
      tpu.vector_store_idx %arg16[%add3A_615], %add3A_609 : memref<256xf32, #tpu.memory_space<vmem>>[vector<16xi32>], vector<16xf32>,
      %add3A_616 = arith.constant 6 : i32
      %add3A_617 = arith.addi %mul3A_250, %add3A_616 : i32
      %get3A_618 = arith.index_cast %add3A_617 : i32 to index
      %get3A_619 = arith.constant 0 : index
      %get3A_620 = tpu.vector_load %arg12[%get3A_618, %get3A_619] {strides = array<i32>} : memref<512x64xf32, #tpu.memory_space<vmem>>, vector<16xf32>,
      %get3A_621 = arith.index_cast %add3A_617 : i32 to index
      %get3A_622 = arith.constant 0 : index
      %get3A_623 = tpu.vector_load %arg13[%get3A_621, %get3A_622] {strides = array<i32>} : memref<512x64xf32, #tpu.memory_space<vmem>>, vector<16xf32>,
      %mul3A_624 = arith.mulf %get3A_620, %get3A_623 : vector<16xf32>
      %get3A_625 = arith.index_cast %add3A_617 : i32 to index
      %get3A_626 = arith.constant 0 : index
      %get3A_627 = tpu.vector_load %arg12[%get3A_625, %get3A_626] {strides = array<i32>} : memref<512x64xf32, #tpu.memory_space<vmem>>, vector<16xf32>,
      %get3A_628 = arith.index_cast %add3A_617 : i32 to index
      %get3A_629 = arith.constant 0 : index
      %get3A_630 = tpu.vector_load %arg14[%get3A_628, %get3A_629] {strides = array<i32>} : memref<512x64xf32, #tpu.memory_space<vmem>>, vector<16xf32>,
      %mul3A_631 = arith.mulf %get3A_627, %get3A_630 : vector<16xf32>
      %get3A_632 = arith.index_cast %add3A_617 : i32 to index
      %get3A_633 = arith.constant 16 : index
      %get3A_634 = tpu.vector_load %arg12[%get3A_632, %get3A_633] {strides = array<i32>} : memref<512x64xf32, #tpu.memory_space<vmem>>, vector<16xf32>,
      %get3A_635 = arith.index_cast %add3A_617 : i32 to index
      %get3A_636 = arith.constant 16 : index
      %get3A_637 = tpu.vector_load %arg13[%get3A_635, %get3A_636] {strides = array<i32>} : memref<512x64xf32, #tpu.memory_space<vmem>>, vector<16xf32>,
      %mul3A_638 = arith.mulf %get3A_634, %get3A_637 : vector<16xf32>
      %add3A_639 = arith.addf %mul3A_624, %mul3A_638 : vector<16xf32>
      %get3A_640 = arith.index_cast %add3A_617 : i32 to index
      %get3A_641 = arith.constant 16 : index
      %get3A_642 = tpu.vector_load %arg14[%get3A_640, %get3A_641] {strides = array<i32>} : memref<512x64xf32, #tpu.memory_space<vmem>>, vector<16xf32>,
      %mul3A_643 = arith.mulf %get3A_634, %get3A_642 : vector<16xf32>
      %add3A_644 = arith.addf %mul3A_631, %mul3A_643 : vector<16xf32>
      %get3A_645 = arith.index_cast %add3A_617 : i32 to index
      %get3A_646 = arith.constant 32 : index
      %get3A_647 = tpu.vector_load %arg12[%get3A_645, %get3A_646] {strides = array<i32>} : memref<512x64xf32, #tpu.memory_space<vmem>>, vector<16xf32>,
      %get3A_648 = arith.index_cast %add3A_617 : i32 to index
      %get3A_649 = arith.constant 32 : index
      %get3A_650 = tpu.vector_load %arg13[%get3A_648, %get3A_649] {strides = array<i32>} : memref<512x64xf32, #tpu.memory_space<vmem>>, vector<16xf32>,
      %mul3A_651 = arith.mulf %get3A_647, %get3A_650 : vector<16xf32>
      %add3A_652 = arith.addf %add3A_639, %mul3A_651 : vector<16xf32>
      %get3A_653 = arith.index_cast %add3A_617 : i32 to index
      %get3A_654 = arith.constant 32 : index
      %get3A_655 = tpu.vector_load %arg14[%get3A_653, %get3A_654] {strides = array<i32>} : memref<512x64xf32, #tpu.memory_space<vmem>>, vector<16xf32>,
      %mul3A_656 = arith.mulf %get3A_647, %get3A_655 : vector<16xf32>
      %add3A_657 = arith.addf %add3A_644, %mul3A_656 : vector<16xf32>
      %get3A_658 = arith.index_cast %add3A_617 : i32 to index
      %get3A_659 = arith.constant 48 : index
      %get3A_660 = tpu.vector_load %arg12[%get3A_658, %get3A_659] {strides = array<i32>} : memref<512x64xf32, #tpu.memory_space<vmem>>, vector<16xf32>,
      %get3A_661 = arith.index_cast %add3A_617 : i32 to index
      %get3A_662 = arith.constant 48 : index
      %get3A_663 = tpu.vector_load %arg13[%get3A_661, %get3A_662] {strides = array<i32>} : memref<512x64xf32, #tpu.memory_space<vmem>>, vector<16xf32>,
      %mul3A_664 = arith.mulf %get3A_660, %get3A_663 : vector<16xf32>
      %add3A_665 = arith.addf %add3A_652, %mul3A_664 : vector<16xf32>
      %get3A_666 = arith.index_cast %add3A_617 : i32 to index
      %get3A_667 = arith.constant 48 : index
      %get3A_668 = tpu.vector_load %arg14[%get3A_666, %get3A_667] {strides = array<i32>} : memref<512x64xf32, #tpu.memory_space<vmem>>, vector<16xf32>,
      %mul3A_669 = arith.mulf %get3A_660, %get3A_668 : vector<16xf32>
      %add3A_670 = arith.addf %add3A_657, %mul3A_669 : vector<16xf32>
      %mul3A_671 = arith.constant 16 : i32
      %mul3A_672 = vector.broadcast %mul3A_671 : i32 to vector<16xi32>
      %mul3A_673 = arith.muli %iota3A, %mul3A_672 : vector<16xi32>
      %add3A_674 = arith.constant 6 : i32
      %add3A_675 = vector.broadcast %add3A_674 : i32 to vector<16xi32>
      %add3A_676 = arith.addi %mul3A_673, %add3A_675 : vector<16xi32>
      tpu.vector_store_idx %arg15[%add3A_676], %add3A_665 : memref<256xf32, #tpu.memory_space<vmem>>[vector<16xi32>], vector<16xf32>,
      tpu.vector_store_idx %arg16[%add3A_676], %add3A_670 : memref<256xf32, #tpu.memory_space<vmem>>[vector<16xi32>], vector<16xf32>,
      %add3A_677 = arith.constant 7 : i32
      %add3A_678 = arith.addi %mul3A_250, %add3A_677 : i32
      %get3A_679 = arith.index_cast %add3A_678 : i32 to index
      %get3A_680 = arith.constant 0 : index
      %get3A_681 = tpu.vector_load %arg12[%get3A_679, %get3A_680] {strides = array<i32>} : memref<512x64xf32, #tpu.memory_space<vmem>>, vector<16xf32>,
      %get3A_682 = arith.index_cast %add3A_678 : i32 to index
      %get3A_683 = arith.constant 0 : index
      %get3A_684 = tpu.vector_load %arg13[%get3A_682, %get3A_683] {strides = array<i32>} : memref<512x64xf32, #tpu.memory_space<vmem>>, vector<16xf32>,
      %mul3A_685 = arith.mulf %get3A_681, %get3A_684 : vector<16xf32>
      %get3A_686 = arith.index_cast %add3A_678 : i32 to index
      %get3A_687 = arith.constant 0 : index
      %get3A_688 = tpu.vector_load %arg12[%get3A_686, %get3A_687] {strides = array<i32>} : memref<512x64xf32, #tpu.memory_space<vmem>>, vector<16xf32>,
      %get3A_689 = arith.index_cast %add3A_678 : i32 to index
      %get3A_690 = arith.constant 0 : index
      %get3A_691 = tpu.vector_load %arg14[%get3A_689, %get3A_690] {strides = array<i32>} : memref<512x64xf32, #tpu.memory_space<vmem>>, vector<16xf32>,
      %mul3A_692 = arith.mulf %get3A_688, %get3A_691 : vector<16xf32>
      %get3A_693 = arith.index_cast %add3A_678 : i32 to index
      %get3A_694 = arith.constant 16 : index
      %get3A_695 = tpu.vector_load %arg12[%get3A_693, %get3A_694] {strides = array<i32>} : memref<512x64xf32, #tpu.memory_space<vmem>>, vector<16xf32>,
      %get3A_696 = arith.index_cast %add3A_678 : i32 to index
      %get3A_697 = arith.constant 16 : index
      %get3A_698 = tpu.vector_load %arg13[%get3A_696, %get3A_697] {strides = array<i32>} : memref<512x64xf32, #tpu.memory_space<vmem>>, vector<16xf32>,
      %mul3A_699 = arith.mulf %get3A_695, %get3A_698 : vector<16xf32>
      %add3A_700 = arith.addf %mul3A_685, %mul3A_699 : vector<16xf32>
      %get3A_701 = arith.index_cast %add3A_678 : i32 to index
      %get3A_702 = arith.constant 16 : index
      %get3A_703 = tpu.vector_load %arg14[%get3A_701, %get3A_702] {strides = array<i32>} : memref<512x64xf32, #tpu.memory_space<vmem>>, vector<16xf32>,
      %mul3A_704 = arith.mulf %get3A_695, %get3A_703 : vector<16xf32>
      %add3A_705 = arith.addf %mul3A_692, %mul3A_704 : vector<16xf32>
      %get3A_706 = arith.index_cast %add3A_678 : i32 to index
      %get3A_707 = arith.constant 32 : index
      %get3A_708 = tpu.vector_load %arg12[%get3A_706, %get3A_707] {strides = array<i32>} : memref<512x64xf32, #tpu.memory_space<vmem>>, vector<16xf32>,
      %get3A_709 = arith.index_cast %add3A_678 : i32 to index
      %get3A_710 = arith.constant 32 : index
      %get3A_711 = tpu.vector_load %arg13[%get3A_709, %get3A_710] {strides = array<i32>} : memref<512x64xf32, #tpu.memory_space<vmem>>, vector<16xf32>,
      %mul3A_712 = arith.mulf %get3A_708, %get3A_711 : vector<16xf32>
      %add3A_713 = arith.addf %add3A_700, %mul3A_712 : vector<16xf32>
      %get3A_714 = arith.index_cast %add3A_678 : i32 to index
      %get3A_715 = arith.constant 32 : index
      %get3A_716 = tpu.vector_load %arg14[%get3A_714, %get3A_715] {strides = array<i32>} : memref<512x64xf32, #tpu.memory_space<vmem>>, vector<16xf32>,
      %mul3A_717 = arith.mulf %get3A_708, %get3A_716 : vector<16xf32>
      %add3A_718 = arith.addf %add3A_705, %mul3A_717 : vector<16xf32>
      %get3A_719 = arith.index_cast %add3A_678 : i32 to index
      %get3A_720 = arith.constant 48 : index
      %get3A_721 = tpu.vector_load %arg12[%get3A_719, %get3A_720] {strides = array<i32>} : memref<512x64xf32, #tpu.memory_space<vmem>>, vector<16xf32>,
      %get3A_722 = arith.index_cast %add3A_678 : i32 to index
      %get3A_723 = arith.constant 48 : index
      %get3A_724 = tpu.vector_load %arg13[%get3A_722, %get3A_723] {strides = array<i32>} : memref<512x64xf32, #tpu.memory_space<vmem>>, vector<16xf32>,
      %mul3A_725 = arith.mulf %get3A_721, %get3A_724 : vector<16xf32>
      %add3A_726 = arith.addf %add3A_713, %mul3A_725 : vector<16xf32>
      %get3A_727 = arith.index_cast %add3A_678 : i32 to index
      %get3A_728 = arith.constant 48 : index
      %get3A_729 = tpu.vector_load %arg14[%get3A_727, %get3A_728] {strides = array<i32>} : memref<512x64xf32, #tpu.memory_space<vmem>>, vector<16xf32>,
      %mul3A_730 = arith.mulf %get3A_721, %get3A_729 : vector<16xf32>
      %add3A_731 = arith.addf %add3A_718, %mul3A_730 : vector<16xf32>
      %mul3A_732 = arith.constant 16 : i32
      %mul3A_733 = vector.broadcast %mul3A_732 : i32 to vector<16xi32>
      %mul3A_734 = arith.muli %iota3A, %mul3A_733 : vector<16xi32>
      %add3A_735 = arith.constant 7 : i32
      %add3A_736 = vector.broadcast %add3A_735 : i32 to vector<16xi32>
      %add3A_737 = arith.addi %mul3A_734, %add3A_736 : vector<16xi32>
      tpu.vector_store_idx %arg15[%add3A_737], %add3A_726 : memref<256xf32, #tpu.memory_space<vmem>>[vector<16xi32>], vector<16xf32>,
      tpu.vector_store_idx %arg16[%add3A_737], %add3A_731 : memref<256xf32, #tpu.memory_space<vmem>>[vector<16xi32>], vector<16xf32>,
      %add3A_738 = arith.constant 8 : i32
      %add3A_739 = arith.addi %mul3A_250, %add3A_738 : i32
      %get3A_740 = arith.index_cast %add3A_739 : i32 to index
      %get3A_741 = arith.constant 0 : index
      %get3A_742 = tpu.vector_load %arg12[%get3A_740, %get3A_741] {strides = array<i32>} : memref<512x64xf32, #tpu.memory_space<vmem>>, vector<16xf32>,
      %get3A_743 = arith.index_cast %add3A_739 : i32 to index
      %get3A_744 = arith.constant 0 : index
      %get3A_745 = tpu.vector_load %arg13[%get3A_743, %get3A_744] {strides = array<i32>} : memref<512x64xf32, #tpu.memory_space<vmem>>, vector<16xf32>,
      %mul3A_746 = arith.mulf %get3A_742, %get3A_745 : vector<16xf32>
      %get3A_747 = arith.index_cast %add3A_739 : i32 to index
      %get3A_748 = arith.constant 0 : index
      %get3A_749 = tpu.vector_load %arg12[%get3A_747, %get3A_748] {strides = array<i32>} : memref<512x64xf32, #tpu.memory_space<vmem>>, vector<16xf32>,
      %get3A_750 = arith.index_cast %add3A_739 : i32 to index
      %get3A_751 = arith.constant 0 : index
      %get3A_752 = tpu.vector_load %arg14[%get3A_750, %get3A_751] {strides = array<i32>} : memref<512x64xf32, #tpu.memory_space<vmem>>, vector<16xf32>,
      %mul3A_753 = arith.mulf %get3A_749, %get3A_752 : vector<16xf32>
      %get3A_754 = arith.index_cast %add3A_739 : i32 to index
      %get3A_755 = arith.constant 16 : index
      %get3A_756 = tpu.vector_load %arg12[%get3A_754, %get3A_755] {strides = array<i32>} : memref<512x64xf32, #tpu.memory_space<vmem>>, vector<16xf32>,
      %get3A_757 = arith.index_cast %add3A_739 : i32 to index
      %get3A_758 = arith.constant 16 : index
      %get3A_759 = tpu.vector_load %arg13[%get3A_757, %get3A_758] {strides = array<i32>} : memref<512x64xf32, #tpu.memory_space<vmem>>, vector<16xf32>,
      %mul3A_760 = arith.mulf %get3A_756, %get3A_759 : vector<16xf32>
      %add3A_761 = arith.addf %mul3A_746, %mul3A_760 : vector<16xf32>
      %get3A_762 = arith.index_cast %add3A_739 : i32 to index
      %get3A_763 = arith.constant 16 : index
      %get3A_764 = tpu.vector_load %arg14[%get3A_762, %get3A_763] {strides = array<i32>} : memref<512x64xf32, #tpu.memory_space<vmem>>, vector<16xf32>,
      %mul3A_765 = arith.mulf %get3A_756, %get3A_764 : vector<16xf32>
      %add3A_766 = arith.addf %mul3A_753, %mul3A_765 : vector<16xf32>
      %get3A_767 = arith.index_cast %add3A_739 : i32 to index
      %get3A_768 = arith.constant 32 : index
      %get3A_769 = tpu.vector_load %arg12[%get3A_767, %get3A_768] {strides = array<i32>} : memref<512x64xf32, #tpu.memory_space<vmem>>, vector<16xf32>,
      %get3A_770 = arith.index_cast %add3A_739 : i32 to index
      %get3A_771 = arith.constant 32 : index
      %get3A_772 = tpu.vector_load %arg13[%get3A_770, %get3A_771] {strides = array<i32>} : memref<512x64xf32, #tpu.memory_space<vmem>>, vector<16xf32>,
      %mul3A_773 = arith.mulf %get3A_769, %get3A_772 : vector<16xf32>
      %add3A_774 = arith.addf %add3A_761, %mul3A_773 : vector<16xf32>
      %get3A_775 = arith.index_cast %add3A_739 : i32 to index
      %get3A_776 = arith.constant 32 : index
      %get3A_777 = tpu.vector_load %arg14[%get3A_775, %get3A_776] {strides = array<i32>} : memref<512x64xf32, #tpu.memory_space<vmem>>, vector<16xf32>,
      %mul3A_778 = arith.mulf %get3A_769, %get3A_777 : vector<16xf32>
      %add3A_779 = arith.addf %add3A_766, %mul3A_778 : vector<16xf32>
      %get3A_780 = arith.index_cast %add3A_739 : i32 to index
      %get3A_781 = arith.constant 48 : index
      %get3A_782 = tpu.vector_load %arg12[%get3A_780, %get3A_781] {strides = array<i32>} : memref<512x64xf32, #tpu.memory_space<vmem>>, vector<16xf32>,
      %get3A_783 = arith.index_cast %add3A_739 : i32 to index
      %get3A_784 = arith.constant 48 : index
      %get3A_785 = tpu.vector_load %arg13[%get3A_783, %get3A_784] {strides = array<i32>} : memref<512x64xf32, #tpu.memory_space<vmem>>, vector<16xf32>,
      %mul3A_786 = arith.mulf %get3A_782, %get3A_785 : vector<16xf32>
      %add3A_787 = arith.addf %add3A_774, %mul3A_786 : vector<16xf32>
      %get3A_788 = arith.index_cast %add3A_739 : i32 to index
      %get3A_789 = arith.constant 48 : index
      %get3A_790 = tpu.vector_load %arg14[%get3A_788, %get3A_789] {strides = array<i32>} : memref<512x64xf32, #tpu.memory_space<vmem>>, vector<16xf32>,
      %mul3A_791 = arith.mulf %get3A_782, %get3A_790 : vector<16xf32>
      %add3A_792 = arith.addf %add3A_779, %mul3A_791 : vector<16xf32>
      %mul3A_793 = arith.constant 16 : i32
      %mul3A_794 = vector.broadcast %mul3A_793 : i32 to vector<16xi32>
      %mul3A_795 = arith.muli %iota3A, %mul3A_794 : vector<16xi32>
      %add3A_796 = arith.constant 8 : i32
      %add3A_797 = vector.broadcast %add3A_796 : i32 to vector<16xi32>
      %add3A_798 = arith.addi %mul3A_795, %add3A_797 : vector<16xi32>
      tpu.vector_store_idx %arg15[%add3A_798], %add3A_787 : memref<256xf32, #tpu.memory_space<vmem>>[vector<16xi32>], vector<16xf32>,
      tpu.vector_store_idx %arg16[%add3A_798], %add3A_792 : memref<256xf32, #tpu.memory_space<vmem>>[vector<16xi32>], vector<16xf32>,
      %add3A_799 = arith.constant 9 : i32
      %add3A_800 = arith.addi %mul3A_250, %add3A_799 : i32
      %get3A_801 = arith.index_cast %add3A_800 : i32 to index
      %get3A_802 = arith.constant 0 : index
      %get3A_803 = tpu.vector_load %arg12[%get3A_801, %get3A_802] {strides = array<i32>} : memref<512x64xf32, #tpu.memory_space<vmem>>, vector<16xf32>,
      %get3A_804 = arith.index_cast %add3A_800 : i32 to index
      %get3A_805 = arith.constant 0 : index
      %get3A_806 = tpu.vector_load %arg13[%get3A_804, %get3A_805] {strides = array<i32>} : memref<512x64xf32, #tpu.memory_space<vmem>>, vector<16xf32>,
      %mul3A_807 = arith.mulf %get3A_803, %get3A_806 : vector<16xf32>
      %get3A_808 = arith.index_cast %add3A_800 : i32 to index
      %get3A_809 = arith.constant 0 : index
      %get3A_810 = tpu.vector_load %arg12[%get3A_808, %get3A_809] {strides = array<i32>} : memref<512x64xf32, #tpu.memory_space<vmem>>, vector<16xf32>,
      %get3A_811 = arith.index_cast %add3A_800 : i32 to index
      %get3A_812 = arith.constant 0 : index
      %get3A_813 = tpu.vector_load %arg14[%get3A_811, %get3A_812] {strides = array<i32>} : memref<512x64xf32, #tpu.memory_space<vmem>>, vector<16xf32>,
      %mul3A_814 = arith.mulf %get3A_810, %get3A_813 : vector<16xf32>
      %get3A_815 = arith.index_cast %add3A_800 : i32 to index
      %get3A_816 = arith.constant 16 : index
      %get3A_817 = tpu.vector_load %arg12[%get3A_815, %get3A_816] {strides = array<i32>} : memref<512x64xf32, #tpu.memory_space<vmem>>, vector<16xf32>,
      %get3A_818 = arith.index_cast %add3A_800 : i32 to index
      %get3A_819 = arith.constant 16 : index
      %get3A_820 = tpu.vector_load %arg13[%get3A_818, %get3A_819] {strides = array<i32>} : memref<512x64xf32, #tpu.memory_space<vmem>>, vector<16xf32>,
      %mul3A_821 = arith.mulf %get3A_817, %get3A_820 : vector<16xf32>
      %add3A_822 = arith.addf %mul3A_807, %mul3A_821 : vector<16xf32>
      %get3A_823 = arith.index_cast %add3A_800 : i32 to index
      %get3A_824 = arith.constant 16 : index
      %get3A_825 = tpu.vector_load %arg14[%get3A_823, %get3A_824] {strides = array<i32>} : memref<512x64xf32, #tpu.memory_space<vmem>>, vector<16xf32>,
      %mul3A_826 = arith.mulf %get3A_817, %get3A_825 : vector<16xf32>
      %add3A_827 = arith.addf %mul3A_814, %mul3A_826 : vector<16xf32>
      %get3A_828 = arith.index_cast %add3A_800 : i32 to index
      %get3A_829 = arith.constant 32 : index
      %get3A_830 = tpu.vector_load %arg12[%get3A_828, %get3A_829] {strides = array<i32>} : memref<512x64xf32, #tpu.memory_space<vmem>>, vector<16xf32>,
      %get3A_831 = arith.index_cast %add3A_800 : i32 to index
      %get3A_832 = arith.constant 32 : index
      %get3A_833 = tpu.vector_load %arg13[%get3A_831, %get3A_832] {strides = array<i32>} : memref<512x64xf32, #tpu.memory_space<vmem>>, vector<16xf32>,
      %mul3A_834 = arith.mulf %get3A_830, %get3A_833 : vector<16xf32>
      %add3A_835 = arith.addf %add3A_822, %mul3A_834 : vector<16xf32>
      %get3A_836 = arith.index_cast %add3A_800 : i32 to index
      %get3A_837 = arith.constant 32 : index
      %get3A_838 = tpu.vector_load %arg14[%get3A_836, %get3A_837] {strides = array<i32>} : memref<512x64xf32, #tpu.memory_space<vmem>>, vector<16xf32>,
      %mul3A_839 = arith.mulf %get3A_830, %get3A_838 : vector<16xf32>
      %add3A_840 = arith.addf %add3A_827, %mul3A_839 : vector<16xf32>
      %get3A_841 = arith.index_cast %add3A_800 : i32 to index
      %get3A_842 = arith.constant 48 : index
      %get3A_843 = tpu.vector_load %arg12[%get3A_841, %get3A_842] {strides = array<i32>} : memref<512x64xf32, #tpu.memory_space<vmem>>, vector<16xf32>,
      %get3A_844 = arith.index_cast %add3A_800 : i32 to index
      %get3A_845 = arith.constant 48 : index
      %get3A_846 = tpu.vector_load %arg13[%get3A_844, %get3A_845] {strides = array<i32>} : memref<512x64xf32, #tpu.memory_space<vmem>>, vector<16xf32>,
      %mul3A_847 = arith.mulf %get3A_843, %get3A_846 : vector<16xf32>
      %add3A_848 = arith.addf %add3A_835, %mul3A_847 : vector<16xf32>
      %get3A_849 = arith.index_cast %add3A_800 : i32 to index
      %get3A_850 = arith.constant 48 : index
      %get3A_851 = tpu.vector_load %arg14[%get3A_849, %get3A_850] {strides = array<i32>} : memref<512x64xf32, #tpu.memory_space<vmem>>, vector<16xf32>,
      %mul3A_852 = arith.mulf %get3A_843, %get3A_851 : vector<16xf32>
      %add3A_853 = arith.addf %add3A_840, %mul3A_852 : vector<16xf32>
      %mul3A_854 = arith.constant 16 : i32
      %mul3A_855 = vector.broadcast %mul3A_854 : i32 to vector<16xi32>
      %mul3A_856 = arith.muli %iota3A, %mul3A_855 : vector<16xi32>
      %add3A_857 = arith.constant 9 : i32
      %add3A_858 = vector.broadcast %add3A_857 : i32 to vector<16xi32>
      %add3A_859 = arith.addi %mul3A_856, %add3A_858 : vector<16xi32>
      tpu.vector_store_idx %arg15[%add3A_859], %add3A_848 : memref<256xf32, #tpu.memory_space<vmem>>[vector<16xi32>], vector<16xf32>,
      tpu.vector_store_idx %arg16[%add3A_859], %add3A_853 : memref<256xf32, #tpu.memory_space<vmem>>[vector<16xi32>], vector<16xf32>,
      %add3A_860 = arith.constant 10 : i32
      %add3A_861 = arith.addi %mul3A_250, %add3A_860 : i32
      %get3A_862 = arith.index_cast %add3A_861 : i32 to index
      %get3A_863 = arith.constant 0 : index
      %get3A_864 = tpu.vector_load %arg12[%get3A_862, %get3A_863] {strides = array<i32>} : memref<512x64xf32, #tpu.memory_space<vmem>>, vector<16xf32>,
      %get3A_865 = arith.index_cast %add3A_861 : i32 to index
      %get3A_866 = arith.constant 0 : index
      %get3A_867 = tpu.vector_load %arg13[%get3A_865, %get3A_866] {strides = array<i32>} : memref<512x64xf32, #tpu.memory_space<vmem>>, vector<16xf32>,
      %mul3A_868 = arith.mulf %get3A_864, %get3A_867 : vector<16xf32>
      %get3A_869 = arith.index_cast %add3A_861 : i32 to index
      %get3A_870 = arith.constant 0 : index
      %get3A_871 = tpu.vector_load %arg12[%get3A_869, %get3A_870] {strides = array<i32>} : memref<512x64xf32, #tpu.memory_space<vmem>>, vector<16xf32>,
      %get3A_872 = arith.index_cast %add3A_861 : i32 to index
      %get3A_873 = arith.constant 0 : index
      %get3A_874 = tpu.vector_load %arg14[%get3A_872, %get3A_873] {strides = array<i32>} : memref<512x64xf32, #tpu.memory_space<vmem>>, vector<16xf32>,
      %mul3A_875 = arith.mulf %get3A_871, %get3A_874 : vector<16xf32>
      %get3A_876 = arith.index_cast %add3A_861 : i32 to index
      %get3A_877 = arith.constant 16 : index
      %get3A_878 = tpu.vector_load %arg12[%get3A_876, %get3A_877] {strides = array<i32>} : memref<512x64xf32, #tpu.memory_space<vmem>>, vector<16xf32>,
      %get3A_879 = arith.index_cast %add3A_861 : i32 to index
      %get3A_880 = arith.constant 16 : index
      %get3A_881 = tpu.vector_load %arg13[%get3A_879, %get3A_880] {strides = array<i32>} : memref<512x64xf32, #tpu.memory_space<vmem>>, vector<16xf32>,
      %mul3A_882 = arith.mulf %get3A_878, %get3A_881 : vector<16xf32>
      %add3A_883 = arith.addf %mul3A_868, %mul3A_882 : vector<16xf32>
      %get3A_884 = arith.index_cast %add3A_861 : i32 to index
      %get3A_885 = arith.constant 16 : index
      %get3A_886 = tpu.vector_load %arg14[%get3A_884, %get3A_885] {strides = array<i32>} : memref<512x64xf32, #tpu.memory_space<vmem>>, vector<16xf32>,
      %mul3A_887 = arith.mulf %get3A_878, %get3A_886 : vector<16xf32>
      %add3A_888 = arith.addf %mul3A_875, %mul3A_887 : vector<16xf32>
      %get3A_889 = arith.index_cast %add3A_861 : i32 to index
      %get3A_890 = arith.constant 32 : index
      %get3A_891 = tpu.vector_load %arg12[%get3A_889, %get3A_890] {strides = array<i32>} : memref<512x64xf32, #tpu.memory_space<vmem>>, vector<16xf32>,
      %get3A_892 = arith.index_cast %add3A_861 : i32 to index
      %get3A_893 = arith.constant 32 : index
      %get3A_894 = tpu.vector_load %arg13[%get3A_892, %get3A_893] {strides = array<i32>} : memref<512x64xf32, #tpu.memory_space<vmem>>, vector<16xf32>,
      %mul3A_895 = arith.mulf %get3A_891, %get3A_894 : vector<16xf32>
      %add3A_896 = arith.addf %add3A_883, %mul3A_895 : vector<16xf32>
      %get3A_897 = arith.index_cast %add3A_861 : i32 to index
      %get3A_898 = arith.constant 32 : index
      %get3A_899 = tpu.vector_load %arg14[%get3A_897, %get3A_898] {strides = array<i32>} : memref<512x64xf32, #tpu.memory_space<vmem>>, vector<16xf32>,
      %mul3A_900 = arith.mulf %get3A_891, %get3A_899 : vector<16xf32>
      %add3A_901 = arith.addf %add3A_888, %mul3A_900 : vector<16xf32>
      %get3A_902 = arith.index_cast %add3A_861 : i32 to index
      %get3A_903 = arith.constant 48 : index
      %get3A_904 = tpu.vector_load %arg12[%get3A_902, %get3A_903] {strides = array<i32>} : memref<512x64xf32, #tpu.memory_space<vmem>>, vector<16xf32>,
      %get3A_905 = arith.index_cast %add3A_861 : i32 to index
      %get3A_906 = arith.constant 48 : index
      %get3A_907 = tpu.vector_load %arg13[%get3A_905, %get3A_906] {strides = array<i32>} : memref<512x64xf32, #tpu.memory_space<vmem>>, vector<16xf32>,
      %mul3A_908 = arith.mulf %get3A_904, %get3A_907 : vector<16xf32>
      %add3A_909 = arith.addf %add3A_896, %mul3A_908 : vector<16xf32>
      %get3A_910 = arith.index_cast %add3A_861 : i32 to index
      %get3A_911 = arith.constant 48 : index
      %get3A_912 = tpu.vector_load %arg14[%get3A_910, %get3A_911] {strides = array<i32>} : memref<512x64xf32, #tpu.memory_space<vmem>>, vector<16xf32>,
      %mul3A_913 = arith.mulf %get3A_904, %get3A_912 : vector<16xf32>
      %add3A_914 = arith.addf %add3A_901, %mul3A_913 : vector<16xf32>
      %mul3A_915 = arith.constant 16 : i32
      %mul3A_916 = vector.broadcast %mul3A_915 : i32 to vector<16xi32>
      %mul3A_917 = arith.muli %iota3A, %mul3A_916 : vector<16xi32>
      %add3A_918 = arith.constant 10 : i32
      %add3A_919 = vector.broadcast %add3A_918 : i32 to vector<16xi32>
      %add3A_920 = arith.addi %mul3A_917, %add3A_919 : vector<16xi32>
      tpu.vector_store_idx %arg15[%add3A_920], %add3A_909 : memref<256xf32, #tpu.memory_space<vmem>>[vector<16xi32>], vector<16xf32>,
      tpu.vector_store_idx %arg16[%add3A_920], %add3A_914 : memref<256xf32, #tpu.memory_space<vmem>>[vector<16xi32>], vector<16xf32>,
      %add3A_921 = arith.constant 11 : i32
      %add3A_922 = arith.addi %mul3A_250, %add3A_921 : i32
      %get3A_923 = arith.index_cast %add3A_922 : i32 to index
      %get3A_924 = arith.constant 0 : index
      %get3A_925 = tpu.vector_load %arg12[%get3A_923, %get3A_924] {strides = array<i32>} : memref<512x64xf32, #tpu.memory_space<vmem>>, vector<16xf32>,
      %get3A_926 = arith.index_cast %add3A_922 : i32 to index
      %get3A_927 = arith.constant 0 : index
      %get3A_928 = tpu.vector_load %arg13[%get3A_926, %get3A_927] {strides = array<i32>} : memref<512x64xf32, #tpu.memory_space<vmem>>, vector<16xf32>,
      %mul3A_929 = arith.mulf %get3A_925, %get3A_928 : vector<16xf32>
      %get3A_930 = arith.index_cast %add3A_922 : i32 to index
      %get3A_931 = arith.constant 0 : index
      %get3A_932 = tpu.vector_load %arg12[%get3A_930, %get3A_931] {strides = array<i32>} : memref<512x64xf32, #tpu.memory_space<vmem>>, vector<16xf32>,
      %get3A_933 = arith.index_cast %add3A_922 : i32 to index
      %get3A_934 = arith.constant 0 : index
      %get3A_935 = tpu.vector_load %arg14[%get3A_933, %get3A_934] {strides = array<i32>} : memref<512x64xf32, #tpu.memory_space<vmem>>, vector<16xf32>,
      %mul3A_936 = arith.mulf %get3A_932, %get3A_935 : vector<16xf32>
      %get3A_937 = arith.index_cast %add3A_922 : i32 to index
      %get3A_938 = arith.constant 16 : index
      %get3A_939 = tpu.vector_load %arg12[%get3A_937, %get3A_938] {strides = array<i32>} : memref<512x64xf32, #tpu.memory_space<vmem>>, vector<16xf32>,
      %get3A_940 = arith.index_cast %add3A_922 : i32 to index
      %get3A_941 = arith.constant 16 : index
      %get3A_942 = tpu.vector_load %arg13[%get3A_940, %get3A_941] {strides = array<i32>} : memref<512x64xf32, #tpu.memory_space<vmem>>, vector<16xf32>,
      %mul3A_943 = arith.mulf %get3A_939, %get3A_942 : vector<16xf32>
      %add3A_944 = arith.addf %mul3A_929, %mul3A_943 : vector<16xf32>
      %get3A_945 = arith.index_cast %add3A_922 : i32 to index
      %get3A_946 = arith.constant 16 : index
      %get3A_947 = tpu.vector_load %arg14[%get3A_945, %get3A_946] {strides = array<i32>} : memref<512x64xf32, #tpu.memory_space<vmem>>, vector<16xf32>,
      %mul3A_948 = arith.mulf %get3A_939, %get3A_947 : vector<16xf32>
      %add3A_949 = arith.addf %mul3A_936, %mul3A_948 : vector<16xf32>
      %get3A_950 = arith.index_cast %add3A_922 : i32 to index
      %get3A_951 = arith.constant 32 : index
      %get3A_952 = tpu.vector_load %arg12[%get3A_950, %get3A_951] {strides = array<i32>} : memref<512x64xf32, #tpu.memory_space<vmem>>, vector<16xf32>,
      %get3A_953 = arith.index_cast %add3A_922 : i32 to index
      %get3A_954 = arith.constant 32 : index
      %get3A_955 = tpu.vector_load %arg13[%get3A_953, %get3A_954] {strides = array<i32>} : memref<512x64xf32, #tpu.memory_space<vmem>>, vector<16xf32>,
      %mul3A_956 = arith.mulf %get3A_952, %get3A_955 : vector<16xf32>
      %add3A_957 = arith.addf %add3A_944, %mul3A_956 : vector<16xf32>
      %get3A_958 = arith.index_cast %add3A_922 : i32 to index
      %get3A_959 = arith.constant 32 : index
      %get3A_960 = tpu.vector_load %arg14[%get3A_958, %get3A_959] {strides = array<i32>} : memref<512x64xf32, #tpu.memory_space<vmem>>, vector<16xf32>,
      %mul3A_961 = arith.mulf %get3A_952, %get3A_960 : vector<16xf32>
      %add3A_962 = arith.addf %add3A_949, %mul3A_961 : vector<16xf32>
      %get3A_963 = arith.index_cast %add3A_922 : i32 to index
      %get3A_964 = arith.constant 48 : index
      %get3A_965 = tpu.vector_load %arg12[%get3A_963, %get3A_964] {strides = array<i32>} : memref<512x64xf32, #tpu.memory_space<vmem>>, vector<16xf32>,
      %get3A_966 = arith.index_cast %add3A_922 : i32 to index
      %get3A_967 = arith.constant 48 : index
      %get3A_968 = tpu.vector_load %arg13[%get3A_966, %get3A_967] {strides = array<i32>} : memref<512x64xf32, #tpu.memory_space<vmem>>, vector<16xf32>,
      %mul3A_969 = arith.mulf %get3A_965, %get3A_968 : vector<16xf32>
      %add3A_970 = arith.addf %add3A_957, %mul3A_969 : vector<16xf32>
      %get3A_971 = arith.index_cast %add3A_922 : i32 to index
      %get3A_972 = arith.constant 48 : index
      %get3A_973 = tpu.vector_load %arg14[%get3A_971, %get3A_972] {strides = array<i32>} : memref<512x64xf32, #tpu.memory_space<vmem>>, vector<16xf32>,
      %mul3A_974 = arith.mulf %get3A_965, %get3A_973 : vector<16xf32>
      %add3A_975 = arith.addf %add3A_962, %mul3A_974 : vector<16xf32>
      %mul3A_976 = arith.constant 16 : i32
      %mul3A_977 = vector.broadcast %mul3A_976 : i32 to vector<16xi32>
      %mul3A_978 = arith.muli %iota3A, %mul3A_977 : vector<16xi32>
      %add3A_979 = arith.constant 11 : i32
      %add3A_980 = vector.broadcast %add3A_979 : i32 to vector<16xi32>
      %add3A_981 = arith.addi %mul3A_978, %add3A_980 : vector<16xi32>
      tpu.vector_store_idx %arg15[%add3A_981], %add3A_970 : memref<256xf32, #tpu.memory_space<vmem>>[vector<16xi32>], vector<16xf32>,
      tpu.vector_store_idx %arg16[%add3A_981], %add3A_975 : memref<256xf32, #tpu.memory_space<vmem>>[vector<16xi32>], vector<16xf32>,
      %add3A_982 = arith.constant 12 : i32
      %add3A_983 = arith.addi %mul3A_250, %add3A_982 : i32
      %get3A_984 = arith.index_cast %add3A_983 : i32 to index
      %get3A_985 = arith.constant 0 : index
      %get3A_986 = tpu.vector_load %arg12[%get3A_984, %get3A_985] {strides = array<i32>} : memref<512x64xf32, #tpu.memory_space<vmem>>, vector<16xf32>,
      %get3A_987 = arith.index_cast %add3A_983 : i32 to index
      %get3A_988 = arith.constant 0 : index
      %get3A_989 = tpu.vector_load %arg13[%get3A_987, %get3A_988] {strides = array<i32>} : memref<512x64xf32, #tpu.memory_space<vmem>>, vector<16xf32>,
      %mul3A_990 = arith.mulf %get3A_986, %get3A_989 : vector<16xf32>
      %get3A_991 = arith.index_cast %add3A_983 : i32 to index
      %get3A_992 = arith.constant 0 : index
      %get3A_993 = tpu.vector_load %arg12[%get3A_991, %get3A_992] {strides = array<i32>} : memref<512x64xf32, #tpu.memory_space<vmem>>, vector<16xf32>,
      %get3A_994 = arith.index_cast %add3A_983 : i32 to index
      %get3A_995 = arith.constant 0 : index
      %get3A_996 = tpu.vector_load %arg14[%get3A_994, %get3A_995] {strides = array<i32>} : memref<512x64xf32, #tpu.memory_space<vmem>>, vector<16xf32>,
      %mul3A_997 = arith.mulf %get3A_993, %get3A_996 : vector<16xf32>
      %get3A_998 = arith.index_cast %add3A_983 : i32 to index
      %get3A_999 = arith.constant 16 : index
      %get3A_1000 = tpu.vector_load %arg12[%get3A_998, %get3A_999] {strides = array<i32>} : memref<512x64xf32, #tpu.memory_space<vmem>>, vector<16xf32>,
      %get3A_1001 = arith.index_cast %add3A_983 : i32 to index
      %get3A_1002 = arith.constant 16 : index
      %get3A_1003 = tpu.vector_load %arg13[%get3A_1001, %get3A_1002] {strides = array<i32>} : memref<512x64xf32, #tpu.memory_space<vmem>>, vector<16xf32>,
      %mul3A_1004 = arith.mulf %get3A_1000, %get3A_1003 : vector<16xf32>
      %add3A_1005 = arith.addf %mul3A_990, %mul3A_1004 : vector<16xf32>
      %get3A_1006 = arith.index_cast %add3A_983 : i32 to index
      %get3A_1007 = arith.constant 16 : index
      %get3A_1008 = tpu.vector_load %arg14[%get3A_1006, %get3A_1007] {strides = array<i32>} : memref<512x64xf32, #tpu.memory_space<vmem>>, vector<16xf32>,
      %mul3A_1009 = arith.mulf %get3A_1000, %get3A_1008 : vector<16xf32>
      %add3A_1010 = arith.addf %mul3A_997, %mul3A_1009 : vector<16xf32>
      %get3A_1011 = arith.index_cast %add3A_983 : i32 to index
      %get3A_1012 = arith.constant 32 : index
      %get3A_1013 = tpu.vector_load %arg12[%get3A_1011, %get3A_1012] {strides = array<i32>} : memref<512x64xf32, #tpu.memory_space<vmem>>, vector<16xf32>,
      %get3A_1014 = arith.index_cast %add3A_983 : i32 to index
      %get3A_1015 = arith.constant 32 : index
      %get3A_1016 = tpu.vector_load %arg13[%get3A_1014, %get3A_1015] {strides = array<i32>} : memref<512x64xf32, #tpu.memory_space<vmem>>, vector<16xf32>,
      %mul3A_1017 = arith.mulf %get3A_1013, %get3A_1016 : vector<16xf32>
      %add3A_1018 = arith.addf %add3A_1005, %mul3A_1017 : vector<16xf32>
      %get3A_1019 = arith.index_cast %add3A_983 : i32 to index
      %get3A_1020 = arith.constant 32 : index
      %get3A_1021 = tpu.vector_load %arg14[%get3A_1019, %get3A_1020] {strides = array<i32>} : memref<512x64xf32, #tpu.memory_space<vmem>>, vector<16xf32>,
      %mul3A_1022 = arith.mulf %get3A_1013, %get3A_1021 : vector<16xf32>
      %add3A_1023 = arith.addf %add3A_1010, %mul3A_1022 : vector<16xf32>
      %get3A_1024 = arith.index_cast %add3A_983 : i32 to index
      %get3A_1025 = arith.constant 48 : index
      %get3A_1026 = tpu.vector_load %arg12[%get3A_1024, %get3A_1025] {strides = array<i32>} : memref<512x64xf32, #tpu.memory_space<vmem>>, vector<16xf32>,
      %get3A_1027 = arith.index_cast %add3A_983 : i32 to index
      %get3A_1028 = arith.constant 48 : index
      %get3A_1029 = tpu.vector_load %arg13[%get3A_1027, %get3A_1028] {strides = array<i32>} : memref<512x64xf32, #tpu.memory_space<vmem>>, vector<16xf32>,
      %mul3A_1030 = arith.mulf %get3A_1026, %get3A_1029 : vector<16xf32>
      %add3A_1031 = arith.addf %add3A_1018, %mul3A_1030 : vector<16xf32>
      %get3A_1032 = arith.index_cast %add3A_983 : i32 to index
      %get3A_1033 = arith.constant 48 : index
      %get3A_1034 = tpu.vector_load %arg14[%get3A_1032, %get3A_1033] {strides = array<i32>} : memref<512x64xf32, #tpu.memory_space<vmem>>, vector<16xf32>,
      %mul3A_1035 = arith.mulf %get3A_1026, %get3A_1034 : vector<16xf32>
      %add3A_1036 = arith.addf %add3A_1023, %mul3A_1035 : vector<16xf32>
      %mul3A_1037 = arith.constant 16 : i32
      %mul3A_1038 = vector.broadcast %mul3A_1037 : i32 to vector<16xi32>
      %mul3A_1039 = arith.muli %iota3A, %mul3A_1038 : vector<16xi32>
      %add3A_1040 = arith.constant 12 : i32
      %add3A_1041 = vector.broadcast %add3A_1040 : i32 to vector<16xi32>
      %add3A_1042 = arith.addi %mul3A_1039, %add3A_1041 : vector<16xi32>
      tpu.vector_store_idx %arg15[%add3A_1042], %add3A_1031 : memref<256xf32, #tpu.memory_space<vmem>>[vector<16xi32>], vector<16xf32>,
      tpu.vector_store_idx %arg16[%add3A_1042], %add3A_1036 : memref<256xf32, #tpu.memory_space<vmem>>[vector<16xi32>], vector<16xf32>,
      %add3A_1043 = arith.constant 13 : i32
      %add3A_1044 = arith.addi %mul3A_250, %add3A_1043 : i32
      %get3A_1045 = arith.index_cast %add3A_1044 : i32 to index
      %get3A_1046 = arith.constant 0 : index
      %get3A_1047 = tpu.vector_load %arg12[%get3A_1045, %get3A_1046] {strides = array<i32>} : memref<512x64xf32, #tpu.memory_space<vmem>>, vector<16xf32>,
      %get3A_1048 = arith.index_cast %add3A_1044 : i32 to index
      %get3A_1049 = arith.constant 0 : index
      %get3A_1050 = tpu.vector_load %arg13[%get3A_1048, %get3A_1049] {strides = array<i32>} : memref<512x64xf32, #tpu.memory_space<vmem>>, vector<16xf32>,
      %mul3A_1051 = arith.mulf %get3A_1047, %get3A_1050 : vector<16xf32>
      %get3A_1052 = arith.index_cast %add3A_1044 : i32 to index
      %get3A_1053 = arith.constant 0 : index
      %get3A_1054 = tpu.vector_load %arg12[%get3A_1052, %get3A_1053] {strides = array<i32>} : memref<512x64xf32, #tpu.memory_space<vmem>>, vector<16xf32>,
      %get3A_1055 = arith.index_cast %add3A_1044 : i32 to index
      %get3A_1056 = arith.constant 0 : index
      %get3A_1057 = tpu.vector_load %arg14[%get3A_1055, %get3A_1056] {strides = array<i32>} : memref<512x64xf32, #tpu.memory_space<vmem>>, vector<16xf32>,
      %mul3A_1058 = arith.mulf %get3A_1054, %get3A_1057 : vector<16xf32>
      %get3A_1059 = arith.index_cast %add3A_1044 : i32 to index
      %get3A_1060 = arith.constant 16 : index
      %get3A_1061 = tpu.vector_load %arg12[%get3A_1059, %get3A_1060] {strides = array<i32>} : memref<512x64xf32, #tpu.memory_space<vmem>>, vector<16xf32>,
      %get3A_1062 = arith.index_cast %add3A_1044 : i32 to index
      %get3A_1063 = arith.constant 16 : index
      %get3A_1064 = tpu.vector_load %arg13[%get3A_1062, %get3A_1063] {strides = array<i32>} : memref<512x64xf32, #tpu.memory_space<vmem>>, vector<16xf32>,
      %mul3A_1065 = arith.mulf %get3A_1061, %get3A_1064 : vector<16xf32>
      %add3A_1066 = arith.addf %mul3A_1051, %mul3A_1065 : vector<16xf32>
      %get3A_1067 = arith.index_cast %add3A_1044 : i32 to index
      %get3A_1068 = arith.constant 16 : index
      %get3A_1069 = tpu.vector_load %arg14[%get3A_1067, %get3A_1068] {strides = array<i32>} : memref<512x64xf32, #tpu.memory_space<vmem>>, vector<16xf32>,
      %mul3A_1070 = arith.mulf %get3A_1061, %get3A_1069 : vector<16xf32>
      %add3A_1071 = arith.addf %mul3A_1058, %mul3A_1070 : vector<16xf32>
      %get3A_1072 = arith.index_cast %add3A_1044 : i32 to index
      %get3A_1073 = arith.constant 32 : index
      %get3A_1074 = tpu.vector_load %arg12[%get3A_1072, %get3A_1073] {strides = array<i32>} : memref<512x64xf32, #tpu.memory_space<vmem>>, vector<16xf32>,
      %get3A_1075 = arith.index_cast %add3A_1044 : i32 to index
      %get3A_1076 = arith.constant 32 : index
      %get3A_1077 = tpu.vector_load %arg13[%get3A_1075, %get3A_1076] {strides = array<i32>} : memref<512x64xf32, #tpu.memory_space<vmem>>, vector<16xf32>,
      %mul3A_1078 = arith.mulf %get3A_1074, %get3A_1077 : vector<16xf32>
      %add3A_1079 = arith.addf %add3A_1066, %mul3A_1078 : vector<16xf32>
      %get3A_1080 = arith.index_cast %add3A_1044 : i32 to index
      %get3A_1081 = arith.constant 32 : index
      %get3A_1082 = tpu.vector_load %arg14[%get3A_1080, %get3A_1081] {strides = array<i32>} : memref<512x64xf32, #tpu.memory_space<vmem>>, vector<16xf32>,
      %mul3A_1083 = arith.mulf %get3A_1074, %get3A_1082 : vector<16xf32>
      %add3A_1084 = arith.addf %add3A_1071, %mul3A_1083 : vector<16xf32>
      %get3A_1085 = arith.index_cast %add3A_1044 : i32 to index
      %get3A_1086 = arith.constant 48 : index
      %get3A_1087 = tpu.vector_load %arg12[%get3A_1085, %get3A_1086] {strides = array<i32>} : memref<512x64xf32, #tpu.memory_space<vmem>>, vector<16xf32>,
      %get3A_1088 = arith.index_cast %add3A_1044 : i32 to index
      %get3A_1089 = arith.constant 48 : index
      %get3A_1090 = tpu.vector_load %arg13[%get3A_1088, %get3A_1089] {strides = array<i32>} : memref<512x64xf32, #tpu.memory_space<vmem>>, vector<16xf32>,
      %mul3A_1091 = arith.mulf %get3A_1087, %get3A_1090 : vector<16xf32>
      %add3A_1092 = arith.addf %add3A_1079, %mul3A_1091 : vector<16xf32>
      %get3A_1093 = arith.index_cast %add3A_1044 : i32 to index
      %get3A_1094 = arith.constant 48 : index
      %get3A_1095 = tpu.vector_load %arg14[%get3A_1093, %get3A_1094] {strides = array<i32>} : memref<512x64xf32, #tpu.memory_space<vmem>>, vector<16xf32>,
      %mul3A_1096 = arith.mulf %get3A_1087, %get3A_1095 : vector<16xf32>
      %add3A_1097 = arith.addf %add3A_1084, %mul3A_1096 : vector<16xf32>
      %mul3A_1098 = arith.constant 16 : i32
      %mul3A_1099 = vector.broadcast %mul3A_1098 : i32 to vector<16xi32>
      %mul3A_1100 = arith.muli %iota3A, %mul3A_1099 : vector<16xi32>
      %add3A_1101 = arith.constant 13 : i32
      %add3A_1102 = vector.broadcast %add3A_1101 : i32 to vector<16xi32>
      %add3A_1103 = arith.addi %mul3A_1100, %add3A_1102 : vector<16xi32>
      tpu.vector_store_idx %arg15[%add3A_1103], %add3A_1092 : memref<256xf32, #tpu.memory_space<vmem>>[vector<16xi32>], vector<16xf32>,
      tpu.vector_store_idx %arg16[%add3A_1103], %add3A_1097 : memref<256xf32, #tpu.memory_space<vmem>>[vector<16xi32>], vector<16xf32>,
      %add3A_1104 = arith.constant 14 : i32
      %add3A_1105 = arith.addi %mul3A_250, %add3A_1104 : i32
      %get3A_1106 = arith.index_cast %add3A_1105 : i32 to index
      %get3A_1107 = arith.constant 0 : index
      %get3A_1108 = tpu.vector_load %arg12[%get3A_1106, %get3A_1107] {strides = array<i32>} : memref<512x64xf32, #tpu.memory_space<vmem>>, vector<16xf32>,
      %get3A_1109 = arith.index_cast %add3A_1105 : i32 to index
      %get3A_1110 = arith.constant 0 : index
      %get3A_1111 = tpu.vector_load %arg13[%get3A_1109, %get3A_1110] {strides = array<i32>} : memref<512x64xf32, #tpu.memory_space<vmem>>, vector<16xf32>,
      %mul3A_1112 = arith.mulf %get3A_1108, %get3A_1111 : vector<16xf32>
      %get3A_1113 = arith.index_cast %add3A_1105 : i32 to index
      %get3A_1114 = arith.constant 0 : index
      %get3A_1115 = tpu.vector_load %arg12[%get3A_1113, %get3A_1114] {strides = array<i32>} : memref<512x64xf32, #tpu.memory_space<vmem>>, vector<16xf32>,
      %get3A_1116 = arith.index_cast %add3A_1105 : i32 to index
      %get3A_1117 = arith.constant 0 : index
      %get3A_1118 = tpu.vector_load %arg14[%get3A_1116, %get3A_1117] {strides = array<i32>} : memref<512x64xf32, #tpu.memory_space<vmem>>, vector<16xf32>,
      %mul3A_1119 = arith.mulf %get3A_1115, %get3A_1118 : vector<16xf32>
      %get3A_1120 = arith.index_cast %add3A_1105 : i32 to index
      %get3A_1121 = arith.constant 16 : index
      %get3A_1122 = tpu.vector_load %arg12[%get3A_1120, %get3A_1121] {strides = array<i32>} : memref<512x64xf32, #tpu.memory_space<vmem>>, vector<16xf32>,
      %get3A_1123 = arith.index_cast %add3A_1105 : i32 to index
      %get3A_1124 = arith.constant 16 : index
      %get3A_1125 = tpu.vector_load %arg13[%get3A_1123, %get3A_1124] {strides = array<i32>} : memref<512x64xf32, #tpu.memory_space<vmem>>, vector<16xf32>,
      %mul3A_1126 = arith.mulf %get3A_1122, %get3A_1125 : vector<16xf32>
      %add3A_1127 = arith.addf %mul3A_1112, %mul3A_1126 : vector<16xf32>
      %get3A_1128 = arith.index_cast %add3A_1105 : i32 to index
      %get3A_1129 = arith.constant 16 : index
      %get3A_1130 = tpu.vector_load %arg14[%get3A_1128, %get3A_1129] {strides = array<i32>} : memref<512x64xf32, #tpu.memory_space<vmem>>, vector<16xf32>,
      %mul3A_1131 = arith.mulf %get3A_1122, %get3A_1130 : vector<16xf32>
      %add3A_1132 = arith.addf %mul3A_1119, %mul3A_1131 : vector<16xf32>
      %get3A_1133 = arith.index_cast %add3A_1105 : i32 to index
      %get3A_1134 = arith.constant 32 : index
      %get3A_1135 = tpu.vector_load %arg12[%get3A_1133, %get3A_1134] {strides = array<i32>} : memref<512x64xf32, #tpu.memory_space<vmem>>, vector<16xf32>,
      %get3A_1136 = arith.index_cast %add3A_1105 : i32 to index
      %get3A_1137 = arith.constant 32 : index
      %get3A_1138 = tpu.vector_load %arg13[%get3A_1136, %get3A_1137] {strides = array<i32>} : memref<512x64xf32, #tpu.memory_space<vmem>>, vector<16xf32>,
      %mul3A_1139 = arith.mulf %get3A_1135, %get3A_1138 : vector<16xf32>
      %add3A_1140 = arith.addf %add3A_1127, %mul3A_1139 : vector<16xf32>
      %get3A_1141 = arith.index_cast %add3A_1105 : i32 to index
      %get3A_1142 = arith.constant 32 : index
      %get3A_1143 = tpu.vector_load %arg14[%get3A_1141, %get3A_1142] {strides = array<i32>} : memref<512x64xf32, #tpu.memory_space<vmem>>, vector<16xf32>,
      %mul3A_1144 = arith.mulf %get3A_1135, %get3A_1143 : vector<16xf32>
      %add3A_1145 = arith.addf %add3A_1132, %mul3A_1144 : vector<16xf32>
      %get3A_1146 = arith.index_cast %add3A_1105 : i32 to index
      %get3A_1147 = arith.constant 48 : index
      %get3A_1148 = tpu.vector_load %arg12[%get3A_1146, %get3A_1147] {strides = array<i32>} : memref<512x64xf32, #tpu.memory_space<vmem>>, vector<16xf32>,
      %get3A_1149 = arith.index_cast %add3A_1105 : i32 to index
      %get3A_1150 = arith.constant 48 : index
      %get3A_1151 = tpu.vector_load %arg13[%get3A_1149, %get3A_1150] {strides = array<i32>} : memref<512x64xf32, #tpu.memory_space<vmem>>, vector<16xf32>,
      %mul3A_1152 = arith.mulf %get3A_1148, %get3A_1151 : vector<16xf32>
      %add3A_1153 = arith.addf %add3A_1140, %mul3A_1152 : vector<16xf32>
      %get3A_1154 = arith.index_cast %add3A_1105 : i32 to index
      %get3A_1155 = arith.constant 48 : index
      %get3A_1156 = tpu.vector_load %arg14[%get3A_1154, %get3A_1155] {strides = array<i32>} : memref<512x64xf32, #tpu.memory_space<vmem>>, vector<16xf32>,
      %mul3A_1157 = arith.mulf %get3A_1148, %get3A_1156 : vector<16xf32>
      %add3A_1158 = arith.addf %add3A_1145, %mul3A_1157 : vector<16xf32>
      %mul3A_1159 = arith.constant 16 : i32
      %mul3A_1160 = vector.broadcast %mul3A_1159 : i32 to vector<16xi32>
      %mul3A_1161 = arith.muli %iota3A, %mul3A_1160 : vector<16xi32>
      %add3A_1162 = arith.constant 14 : i32
      %add3A_1163 = vector.broadcast %add3A_1162 : i32 to vector<16xi32>
      %add3A_1164 = arith.addi %mul3A_1161, %add3A_1163 : vector<16xi32>
      tpu.vector_store_idx %arg15[%add3A_1164], %add3A_1153 : memref<256xf32, #tpu.memory_space<vmem>>[vector<16xi32>], vector<16xf32>,
      tpu.vector_store_idx %arg16[%add3A_1164], %add3A_1158 : memref<256xf32, #tpu.memory_space<vmem>>[vector<16xi32>], vector<16xf32>,
      %add3A_1165 = arith.constant 15 : i32
      %add3A_1166 = arith.addi %mul3A_250, %add3A_1165 : i32
      %get3A_1167 = arith.index_cast %add3A_1166 : i32 to index
      %get3A_1168 = arith.constant 0 : index
      %get3A_1169 = tpu.vector_load %arg12[%get3A_1167, %get3A_1168] {strides = array<i32>} : memref<512x64xf32, #tpu.memory_space<vmem>>, vector<16xf32>,
      %get3A_1170 = arith.index_cast %add3A_1166 : i32 to index
      %get3A_1171 = arith.constant 0 : index
      %get3A_1172 = tpu.vector_load %arg13[%get3A_1170, %get3A_1171] {strides = array<i32>} : memref<512x64xf32, #tpu.memory_space<vmem>>, vector<16xf32>,
      %mul3A_1173 = arith.mulf %get3A_1169, %get3A_1172 : vector<16xf32>
      %get3A_1174 = arith.index_cast %add3A_1166 : i32 to index
      %get3A_1175 = arith.constant 0 : index
      %get3A_1176 = tpu.vector_load %arg12[%get3A_1174, %get3A_1175] {strides = array<i32>} : memref<512x64xf32, #tpu.memory_space<vmem>>, vector<16xf32>,
      %get3A_1177 = arith.index_cast %add3A_1166 : i32 to index
      %get3A_1178 = arith.constant 0 : index
      %get3A_1179 = tpu.vector_load %arg14[%get3A_1177, %get3A_1178] {strides = array<i32>} : memref<512x64xf32, #tpu.memory_space<vmem>>, vector<16xf32>,
      %mul3A_1180 = arith.mulf %get3A_1176, %get3A_1179 : vector<16xf32>
      %get3A_1181 = arith.index_cast %add3A_1166 : i32 to index
      %get3A_1182 = arith.constant 16 : index
      %get3A_1183 = tpu.vector_load %arg12[%get3A_1181, %get3A_1182] {strides = array<i32>} : memref<512x64xf32, #tpu.memory_space<vmem>>, vector<16xf32>,
      %get3A_1184 = arith.index_cast %add3A_1166 : i32 to index
      %get3A_1185 = arith.constant 16 : index
      %get3A_1186 = tpu.vector_load %arg13[%get3A_1184, %get3A_1185] {strides = array<i32>} : memref<512x64xf32, #tpu.memory_space<vmem>>, vector<16xf32>,
      %mul3A_1187 = arith.mulf %get3A_1183, %get3A_1186 : vector<16xf32>
      %add3A_1188 = arith.addf %mul3A_1173, %mul3A_1187 : vector<16xf32>
      %get3A_1189 = arith.index_cast %add3A_1166 : i32 to index
      %get3A_1190 = arith.constant 16 : index
      %get3A_1191 = tpu.vector_load %arg14[%get3A_1189, %get3A_1190] {strides = array<i32>} : memref<512x64xf32, #tpu.memory_space<vmem>>, vector<16xf32>,
      %mul3A_1192 = arith.mulf %get3A_1183, %get3A_1191 : vector<16xf32>
      %add3A_1193 = arith.addf %mul3A_1180, %mul3A_1192 : vector<16xf32>
      %get3A_1194 = arith.index_cast %add3A_1166 : i32 to index
      %get3A_1195 = arith.constant 32 : index
      %get3A_1196 = tpu.vector_load %arg12[%get3A_1194, %get3A_1195] {strides = array<i32>} : memref<512x64xf32, #tpu.memory_space<vmem>>, vector<16xf32>,
      %get3A_1197 = arith.index_cast %add3A_1166 : i32 to index
      %get3A_1198 = arith.constant 32 : index
      %get3A_1199 = tpu.vector_load %arg13[%get3A_1197, %get3A_1198] {strides = array<i32>} : memref<512x64xf32, #tpu.memory_space<vmem>>, vector<16xf32>,
      %mul3A_1200 = arith.mulf %get3A_1196, %get3A_1199 : vector<16xf32>
      %add3A_1201 = arith.addf %add3A_1188, %mul3A_1200 : vector<16xf32>
      %get3A_1202 = arith.index_cast %add3A_1166 : i32 to index
      %get3A_1203 = arith.constant 32 : index
      %get3A_1204 = tpu.vector_load %arg14[%get3A_1202, %get3A_1203] {strides = array<i32>} : memref<512x64xf32, #tpu.memory_space<vmem>>, vector<16xf32>,
      %mul3A_1205 = arith.mulf %get3A_1196, %get3A_1204 : vector<16xf32>
      %add3A_1206 = arith.addf %add3A_1193, %mul3A_1205 : vector<16xf32>
      %get3A_1207 = arith.index_cast %add3A_1166 : i32 to index
      %get3A_1208 = arith.constant 48 : index
      %get3A_1209 = tpu.vector_load %arg12[%get3A_1207, %get3A_1208] {strides = array<i32>} : memref<512x64xf32, #tpu.memory_space<vmem>>, vector<16xf32>,
      %get3A_1210 = arith.index_cast %add3A_1166 : i32 to index
      %get3A_1211 = arith.constant 48 : index
      %get3A_1212 = tpu.vector_load %arg13[%get3A_1210, %get3A_1211] {strides = array<i32>} : memref<512x64xf32, #tpu.memory_space<vmem>>, vector<16xf32>,
      %mul3A_1213 = arith.mulf %get3A_1209, %get3A_1212 : vector<16xf32>
      %add3A_1214 = arith.addf %add3A_1201, %mul3A_1213 : vector<16xf32>
      %get3A_1215 = arith.index_cast %add3A_1166 : i32 to index
      %get3A_1216 = arith.constant 48 : index
      %get3A_1217 = tpu.vector_load %arg14[%get3A_1215, %get3A_1216] {strides = array<i32>} : memref<512x64xf32, #tpu.memory_space<vmem>>, vector<16xf32>,
      %mul3A_1218 = arith.mulf %get3A_1209, %get3A_1217 : vector<16xf32>
      %add3A_1219 = arith.addf %add3A_1206, %mul3A_1218 : vector<16xf32>
      %mul3A_1220 = arith.constant 16 : i32
      %mul3A_1221 = vector.broadcast %mul3A_1220 : i32 to vector<16xi32>
      %mul3A_1222 = arith.muli %iota3A, %mul3A_1221 : vector<16xi32>
      %add3A_1223 = arith.constant 15 : i32
      %add3A_1224 = vector.broadcast %add3A_1223 : i32 to vector<16xi32>
      %add3A_1225 = arith.addi %mul3A_1222, %add3A_1224 : vector<16xi32>
      tpu.vector_store_idx %arg15[%add3A_1225], %add3A_1214 : memref<256xf32, #tpu.memory_space<vmem>>[vector<16xi32>], vector<16xf32>,
      tpu.vector_store_idx %arg16[%add3A_1225], %add3A_1219 : memref<256xf32, #tpu.memory_space<vmem>>[vector<16xi32>], vector<16xf32>,
      %get3A_1226 = arith.constant 0 : index
      %get3A_1227 = tpu.vector_load %arg15[%get3A_1226] {strides = array<i32>} : memref<256xf32, #tpu.memory_space<vmem>>, vector<16xf32>,
      %get3A_1228 = arith.constant 0 : index
      %get3A_1229 = tpu.vector_load %arg16[%get3A_1228] {strides = array<i32>} : memref<256xf32, #tpu.memory_space<vmem>>, vector<16xf32>,
      %get3A_1230 = arith.constant 16 : index
      %get3A_1231 = tpu.vector_load %arg15[%get3A_1230] {strides = array<i32>} : memref<256xf32, #tpu.memory_space<vmem>>, vector<16xf32>,
      %add3A_1232 = arith.addf %get3A_1227, %get3A_1231 : vector<16xf32>
      %get3A_1233 = arith.constant 16 : index
      %get3A_1234 = tpu.vector_load %arg16[%get3A_1233] {strides = array<i32>} : memref<256xf32, #tpu.memory_space<vmem>>, vector<16xf32>,
      %add3A_1235 = arith.addf %get3A_1229, %get3A_1234 : vector<16xf32>
      %get3A_1236 = arith.constant 32 : index
      %get3A_1237 = tpu.vector_load %arg15[%get3A_1236] {strides = array<i32>} : memref<256xf32, #tpu.memory_space<vmem>>, vector<16xf32>,
      %add3A_1238 = arith.addf %add3A_1232, %get3A_1237 : vector<16xf32>
      %get3A_1239 = arith.constant 32 : index
      %get3A_1240 = tpu.vector_load %arg16[%get3A_1239] {strides = array<i32>} : memref<256xf32, #tpu.memory_space<vmem>>, vector<16xf32>,
      %add3A_1241 = arith.addf %add3A_1235, %get3A_1240 : vector<16xf32>
      %get3A_1242 = arith.constant 48 : index
      %get3A_1243 = tpu.vector_load %arg15[%get3A_1242] {strides = array<i32>} : memref<256xf32, #tpu.memory_space<vmem>>, vector<16xf32>,
      %add3A_1244 = arith.addf %add3A_1238, %get3A_1243 : vector<16xf32>
      %get3A_1245 = arith.constant 48 : index
      %get3A_1246 = tpu.vector_load %arg16[%get3A_1245] {strides = array<i32>} : memref<256xf32, #tpu.memory_space<vmem>>, vector<16xf32>,
      %add3A_1247 = arith.addf %add3A_1241, %get3A_1246 : vector<16xf32>
      %get3A_1248 = arith.constant 64 : index
      %get3A_1249 = tpu.vector_load %arg15[%get3A_1248] {strides = array<i32>} : memref<256xf32, #tpu.memory_space<vmem>>, vector<16xf32>,
      %add3A_1250 = arith.addf %add3A_1244, %get3A_1249 : vector<16xf32>
      %get3A_1251 = arith.constant 64 : index
      %get3A_1252 = tpu.vector_load %arg16[%get3A_1251] {strides = array<i32>} : memref<256xf32, #tpu.memory_space<vmem>>, vector<16xf32>,
      %add3A_1253 = arith.addf %add3A_1247, %get3A_1252 : vector<16xf32>
      %get3A_1254 = arith.constant 80 : index
      %get3A_1255 = tpu.vector_load %arg15[%get3A_1254] {strides = array<i32>} : memref<256xf32, #tpu.memory_space<vmem>>, vector<16xf32>,
      %add3A_1256 = arith.addf %add3A_1250, %get3A_1255 : vector<16xf32>
      %get3A_1257 = arith.constant 80 : index
      %get3A_1258 = tpu.vector_load %arg16[%get3A_1257] {strides = array<i32>} : memref<256xf32, #tpu.memory_space<vmem>>, vector<16xf32>,
      %add3A_1259 = arith.addf %add3A_1253, %get3A_1258 : vector<16xf32>
      %get3A_1260 = arith.constant 96 : index
      %get3A_1261 = tpu.vector_load %arg15[%get3A_1260] {strides = array<i32>} : memref<256xf32, #tpu.memory_space<vmem>>, vector<16xf32>,
      %add3A_1262 = arith.addf %add3A_1256, %get3A_1261 : vector<16xf32>
      %get3A_1263 = arith.constant 96 : index
      %get3A_1264 = tpu.vector_load %arg16[%get3A_1263] {strides = array<i32>} : memref<256xf32, #tpu.memory_space<vmem>>, vector<16xf32>,
      %add3A_1265 = arith.addf %add3A_1259, %get3A_1264 : vector<16xf32>
      %get3A_1266 = arith.constant 112 : index
      %get3A_1267 = tpu.vector_load %arg15[%get3A_1266] {strides = array<i32>} : memref<256xf32, #tpu.memory_space<vmem>>, vector<16xf32>,
      %add3A_1268 = arith.addf %add3A_1262, %get3A_1267 : vector<16xf32>
      %get3A_1269 = arith.constant 112 : index
      %get3A_1270 = tpu.vector_load %arg16[%get3A_1269] {strides = array<i32>} : memref<256xf32, #tpu.memory_space<vmem>>, vector<16xf32>,
      %add3A_1271 = arith.addf %add3A_1265, %get3A_1270 : vector<16xf32>
      %get3A_1272 = arith.constant 128 : index
      %get3A_1273 = tpu.vector_load %arg15[%get3A_1272] {strides = array<i32>} : memref<256xf32, #tpu.memory_space<vmem>>, vector<16xf32>,
      %add3A_1274 = arith.addf %add3A_1268, %get3A_1273 : vector<16xf32>
      %get3A_1275 = arith.constant 128 : index
      %get3A_1276 = tpu.vector_load %arg16[%get3A_1275] {strides = array<i32>} : memref<256xf32, #tpu.memory_space<vmem>>, vector<16xf32>,
      %add3A_1277 = arith.addf %add3A_1271, %get3A_1276 : vector<16xf32>
      %get3A_1278 = arith.constant 144 : index
      %get3A_1279 = tpu.vector_load %arg15[%get3A_1278] {strides = array<i32>} : memref<256xf32, #tpu.memory_space<vmem>>, vector<16xf32>,
      %add3A_1280 = arith.addf %add3A_1274, %get3A_1279 : vector<16xf32>
      %get3A_1281 = arith.constant 144 : index
      %get3A_1282 = tpu.vector_load %arg16[%get3A_1281] {strides = array<i32>} : memref<256xf32, #tpu.memory_space<vmem>>, vector<16xf32>,
      %add3A_1283 = arith.addf %add3A_1277, %get3A_1282 : vector<16xf32>
      %get3A_1284 = arith.constant 160 : index
      %get3A_1285 = tpu.vector_load %arg15[%get3A_1284] {strides = array<i32>} : memref<256xf32, #tpu.memory_space<vmem>>, vector<16xf32>,
      %add3A_1286 = arith.addf %add3A_1280, %get3A_1285 : vector<16xf32>
      %get3A_1287 = arith.constant 160 : index
      %get3A_1288 = tpu.vector_load %arg16[%get3A_1287] {strides = array<i32>} : memref<256xf32, #tpu.memory_space<vmem>>, vector<16xf32>,
      %add3A_1289 = arith.addf %add3A_1283, %get3A_1288 : vector<16xf32>
      %get3A_1290 = arith.constant 176 : index
      %get3A_1291 = tpu.vector_load %arg15[%get3A_1290] {strides = array<i32>} : memref<256xf32, #tpu.memory_space<vmem>>, vector<16xf32>,
      %add3A_1292 = arith.addf %add3A_1286, %get3A_1291 : vector<16xf32>
      %get3A_1293 = arith.constant 176 : index
      %get3A_1294 = tpu.vector_load %arg16[%get3A_1293] {strides = array<i32>} : memref<256xf32, #tpu.memory_space<vmem>>, vector<16xf32>,
      %add3A_1295 = arith.addf %add3A_1289, %get3A_1294 : vector<16xf32>
      %get3A_1296 = arith.constant 192 : index
      %get3A_1297 = tpu.vector_load %arg15[%get3A_1296] {strides = array<i32>} : memref<256xf32, #tpu.memory_space<vmem>>, vector<16xf32>,
      %add3A_1298 = arith.addf %add3A_1292, %get3A_1297 : vector<16xf32>
      %get3A_1299 = arith.constant 192 : index
      %get3A_1300 = tpu.vector_load %arg16[%get3A_1299] {strides = array<i32>} : memref<256xf32, #tpu.memory_space<vmem>>, vector<16xf32>,
      %add3A_1301 = arith.addf %add3A_1295, %get3A_1300 : vector<16xf32>
      %get3A_1302 = arith.constant 208 : index
      %get3A_1303 = tpu.vector_load %arg15[%get3A_1302] {strides = array<i32>} : memref<256xf32, #tpu.memory_space<vmem>>, vector<16xf32>,
      %add3A_1304 = arith.addf %add3A_1298, %get3A_1303 : vector<16xf32>
      %get3A_1305 = arith.constant 208 : index
      %get3A_1306 = tpu.vector_load %arg16[%get3A_1305] {strides = array<i32>} : memref<256xf32, #tpu.memory_space<vmem>>, vector<16xf32>,
      %add3A_1307 = arith.addf %add3A_1301, %get3A_1306 : vector<16xf32>
      %get3A_1308 = arith.constant 224 : index
      %get3A_1309 = tpu.vector_load %arg15[%get3A_1308] {strides = array<i32>} : memref<256xf32, #tpu.memory_space<vmem>>, vector<16xf32>,
      %add3A_1310 = arith.addf %add3A_1304, %get3A_1309 : vector<16xf32>
      %get3A_1311 = arith.constant 224 : index
      %get3A_1312 = tpu.vector_load %arg16[%get3A_1311] {strides = array<i32>} : memref<256xf32, #tpu.memory_space<vmem>>, vector<16xf32>,
      %add3A_1313 = arith.addf %add3A_1307, %get3A_1312 : vector<16xf32>
      %get3A_1314 = arith.constant 240 : index
      %get3A_1315 = tpu.vector_load %arg15[%get3A_1314] {strides = array<i32>} : memref<256xf32, #tpu.memory_space<vmem>>, vector<16xf32>,
      %add3A_1316 = arith.addf %add3A_1310, %get3A_1315 : vector<16xf32>
      %get3A_1317 = arith.constant 240 : index
      %get3A_1318 = tpu.vector_load %arg16[%get3A_1317] {strides = array<i32>} : memref<256xf32, #tpu.memory_space<vmem>>, vector<16xf32>,
      %add3A_1319 = arith.addf %add3A_1313, %get3A_1318 : vector<16xf32>
      %swap3A = arith.index_cast %mul3A_250 : i32 to index
      %swap3A_1320 = tpu.vector_load %arg17[%swap3A] {strides = array<i32>} : memref<512xf32, #tpu.memory_space<vmem>>, vector<16xf32>,
      tpu.vector_store %arg17[%swap3A], %add3A_1316 {strides = array<i32>} : memref<512xf32, #tpu.memory_space<vmem>>, vector<16xf32>,
      %swap3A_1321 = arith.index_cast %mul3A_250 : i32 to index
      %swap3A_1322 = tpu.vector_load %arg18[%swap3A_1321] {strides = array<i32>} : memref<512xf32, #tpu.memory_space<vmem>>, vector<16xf32>,
      tpu.vector_store %arg18[%swap3A_1321], %add3A_1319 {strides = array<i32>} : memref<512xf32, #tpu.memory_space<vmem>>, vector<16xf32>,
    }
    %scan3A_243 = arith.constant 32 : i32
    %mul3A_244 = arith.constant 512 : i32
    %mul3A_245 = arith.muli %add3A, %mul3A_244 : i32
    "tpu.region"() ({
      %run_scoped3A = tpu.sem_alloc : memref<!tpu.dma_semaphore, #tpu.memory_space<semaphore_mem>>
      %dma_start3A_248 = tpu.memref_slice %arg7[%mul3A_245] : memref<16384xf32, #tpu.memory_space<hbm>> -> memref<512xf32, #tpu.memory_space<hbm>>
      %dma_start3A_249 = tpu.memref_slice %arg7[%mul3A_245] : memref<16384xf32, #tpu.memory_space<hbm>> -> memref<512xf32, #tpu.memory_space<hbm>>
      tpu.enqueue_dma source(%arg17 : memref<512xf32, #tpu.memory_space<vmem>>) target(%dma_start3A_249 : memref<512xf32, #tpu.memory_space<hbm>>) target_semaphore(%run_scoped3A : memref<!tpu.dma_semaphore, #tpu.memory_space<semaphore_mem>>)
      %dma_wait3A_250 = tpu.memref_slice %arg7[%mul3A_245] : memref<16384xf32, #tpu.memory_space<hbm>> -> memref<512xf32, #tpu.memory_space<hbm>>
      %dma_wait3A_251 = tpu.memref_slice %arg7[%mul3A_245] : memref<16384xf32, #tpu.memory_space<hbm>> -> memref<512xf32, #tpu.memory_space<hbm>>
      tpu.wait_dma2 semaphore(%run_scoped3A : memref<!tpu.dma_semaphore, #tpu.memory_space<semaphore_mem>>) src(%arg17 : memref<512xf32, #tpu.memory_space<vmem>>) dst(%dma_wait3A_251 : memref<512xf32, #tpu.memory_space<hbm>>)
      tpu.yield
    }) : () -> ()
    %mul3A_246 = arith.constant 512 : i32
    %mul3A_247 = arith.muli %add3A, %mul3A_246 : i32
    "tpu.region"() ({
      %run_scoped3A = tpu.sem_alloc : memref<!tpu.dma_semaphore, #tpu.memory_space<semaphore_mem>>
      %dma_start3A_248 = tpu.memref_slice %arg8[%mul3A_247] : memref<16384xf32, #tpu.memory_space<hbm>> -> memref<512xf32, #tpu.memory_space<hbm>>
      %dma_start3A_249 = tpu.memref_slice %arg8[%mul3A_247] : memref<16384xf32, #tpu.memory_space<hbm>> -> memref<512xf32, #tpu.memory_space<hbm>>
      tpu.enqueue_dma source(%arg18 : memref<512xf32, #tpu.memory_space<vmem>>) target(%dma_start3A_249 : memref<512xf32, #tpu.memory_space<hbm>>) target_semaphore(%run_scoped3A : memref<!tpu.dma_semaphore, #tpu.memory_space<semaphore_mem>>)
      %dma_wait3A_250 = tpu.memref_slice %arg8[%mul3A_247] : memref<16384xf32, #tpu.memory_space<hbm>> -> memref<512xf32, #tpu.memory_space<hbm>>
      %dma_wait3A_251 = tpu.memref_slice %arg8[%mul3A_247] : memref<16384xf32, #tpu.memory_space<hbm>> -> memref<512xf32, #tpu.memory_space<hbm>>
      tpu.wait_dma2 semaphore(%run_scoped3A : memref<!tpu.dma_semaphore, #tpu.memory_space<semaphore_mem>>) src(%arg18 : memref<512xf32, #tpu.memory_space<vmem>>) dst(%dma_wait3A_251 : memref<512xf32, #tpu.memory_space<hbm>>)
      tpu.yield
    }) : () -> ()
    return
  }
}

</mosaic_0001>

<sc_bundles>
// kernel: _sc_bpr.3.cloned.1.call-start
scs
__scs_entry_jumppad:
0x0: {  	(pc) =	sbr.rel $0x88, $3  }
0x1: {  	(tag) =	ssettag $0x0;
	lr =	simm.s32 $0x1  }
0x2: {  	[smem:$0x3F9C] =	sst lr;
	_ =	strace $0xD0000000  }
0x3: {  	_ = 	snop  }
0x4: {  	_ = 	snop  }
0x5: {  	_ = 	snop  }
0x6: {  	_ = 	snop  }
0x7: {  	_ = 	snop  }
__scs_overlays_trampoline_lowered:
0x8: {  	[smem:$0x3FAB] =	sst s0  }
0x9: {  	[smem:$0x3FAC] =	sst s1  }
0xa: {  	[smem:$0x3FAD] =	sst s2  }
0xb: {  	[smem:$0x3FAE] =	sst s3  }
0xc: {  	[smem:$0x3FAF] =	sst s4  }
0xd: {  	[smem:$0x3FB0] =	sst s5  }
0xe: {  	[smem:$0x3FB1] =	sst s6  }
0xf: {  	[smem:$0x3FB2] =	sst s7  }
0x10: {  	[smem:$0x3FB3] =	sst s8  }
0x11: {  	[smem:$0x3FB4] =	sst s9;
	s0 =	simm.s32 @!p0 $0x0  }
0x12: {  	s1 =	sld [smem:$0x3F9A];
	s0 =	simm.s32 @p0 $0x1  }
0x13: {  	[smem:$0x3FB5] =	sst s0;
	s0 =	simm.s32 @!p1 $0x0  }
0x14: {  	s2 =	sld [smem:$0x3F99];
	s0 =	simm.s32 @p1 $0x1  }
0x15: {  	[smem:$0x3FB6] =	sst s0;
	s0 =	simm.s32 @!p2 $0x0  }
0x16: {  	s3 =	sld [smem:$0x3FDB];
	s0 =	simm.s32 @p2 $0x1  }
0x17: {  	s4 =	simm.s32 $0x1BF5;
	[smem:$0x3FB8] =	sst s0  }
0x18: {  	s0 =	sld [smem:$0x3F9B];
	_ =	swait.ge [sflag:s4], $0x0  }
0x19: {  	s7 =	sld [smem:$0x3F9C]  }
0x1a: {  	s8 =	sadd.s32 $0xFFFFE003, lr  }
0x1b: {  	s9 =	sadd.s32 $0xFFFFFEF7, lr;
	s5 =	simm.s32 $0xFFFFFFFF;
	p2 =	slt.u32 s8, $0xFFFFF086  }
0x1c: {  	p1 =	slt.u32 s9, $0xF7A;
	s5 =	simm.s32 @!p2 $0x0  }
0x1d: {  	s5 =	simm.s32 @p1 $0x1;
	p0 =	seq.s32 s7, s2  }
0x1e: {  	s7 =	smul.u32 @!p0 $0xF7A, s2;
	p2 =	seq.s32 @!p0 s5, $0x0  }
0x1f: {  	s9 =	smul.u32 $0xF7A, s1;
	s8 =	simm.s32 @!p0 $0x1BF5;
	p2 =	por !p2, p0  }
0x20: {  	[sflag:s8] =	ssyncset.s32 @!p0 $0xFFFFF086;
	s6 =	sadd.s32 @!p0 s3, s7;
	s7 =	simm.s32 @!p0 $0x108  }
0x21: {  	s3 =	sadd.s32 s3, s9;
	s6 =	sadd.s32 @!p0 $0x88, s6;
	s7 =	simm.s32 @p2 $0x1082  }
0x22: {  	[simem:s7], [sflag:s8] =	dma.local @!p0 [hbm:s6], $0xF7A  }
0x23: {  	s9 =	sor.u32 $0xD0000000, s2;
	s6 =	simm.s32 $0x108;
	_ =	swait.ge @!p0 [sflag:s8], $0x0  }
0x24: {  	s3 =	sadd.s32 $0x88, s3;
	s6 =	simm.s32 @!p1 $0x1082;
	[sflag:s4] =	ssyncset.s32 $0xFFFFF086  }
0x25: {  	[simem:s6], [sflag:s4] =	dma.local [hbm:s3], $0xF7A  }
0x26: {  	[smem:$0x3F9C] =	sst s1;
	(tag) =	ssettag s2;
	_ =	strace s9  }
0x27: {  	s1 =	sld [smem:$0x3FAC]  }
0x28: {  	s2 =	sld [smem:$0x3FAD]  }
0x29: {  	s4 =	sld [smem:$0x3FAF]  }
0x2a: {  	p0 =	seq.s32 s5, $0x0;
	s5 =	sld [smem:$0x3FB0]  }
0x2b: {  	s6 =	sld [smem:$0x3FB1]  }
0x2c: {  	s7 =	sld [smem:$0x3FB2]  }
0x2d: {  	s3 =	simm.s32 $0x108;
	s8 =	sld [smem:$0x3FB3]  }
0x2e: {  	s3 =	simm.s32 @!p0 $0x1082;
	s9 =	sld [smem:$0x3FB4]  }
0x2f: {  	lr =	sadd.s32 s0, s3;
	s0 =	sld [smem:$0x3FAB]  }
0x30: {  	s3 =	sld [smem:$0x3FAE]  }
0x31: {  	[smem:$0x3FB7] =	sst s10  }
0x32: {  	s10 =	sld [smem:$0x3FB5];
	_ =	sdelay $0x3  }
0x33: {  	p0 =	seq.s32 s10, $0x1;
	s10 =	sld [smem:$0x3FB7];
	_ =	sdelay $0x3  }
0x34: {  	[smem:$0x3FB7] =	sst s10  }
0x35: {  	s10 =	sld [smem:$0x3FB6];
	_ =	sdelay $0x3  }
0x36: {  	p1 =	seq.s32 s10, $0x1;
	s10 =	sld [smem:$0x3FB7];
	_ =	sdelay $0x3  }
0x37: {  	[smem:$0x3FB7] =	sst s10  }
0x38: {  	s10 =	sld [smem:$0x3FB8]  }
0x39: {  	_ = 	snop;
	(pc) =	sbr.ind lr, $3  }
0x3a: {  	_ = 	snop  }
0x3b: {  	_ = 	snop  }
0x3c: {  	p2 =	seq.s32 s10, $0x1;
	s10 =	sld [smem:$0x3FB7]  }
0x3d: {  	_ =	shalt  }
0x3e: {  	_ =	shalt  }
0x3f: {  	_ =	shalt  }
0x40: {  	_ =	shalt  }
0x41: {  	_ =	shalt  }
0x42: {  	_ =	shalt  }
0x43: {  	_ =	shalt  }
0x44: {  	_ =	shalt  }
0x45: {  	_ =	shalt  }
0x46: {  	_ =	shalt  }
0x47: {  	_ =	shalt  }
0x48: {  	_ =	shalt  }
0x49: {  	_ =	shalt  }
0x4a: {  	_ =	shalt  }
0x4b: {  	_ =	shalt  }
0x4c: {  	_ =	shalt  }
0x4d: {  	_ =	shalt  }
0x4e: {  	_ =	shalt  }
0x4f: {  	_ =	shalt  }
0x50: {  	_ =	shalt  }
0x51: {  	_ =	shalt  }
0x52: {  	_ =	shalt  }
0x53: {  	_ =	shalt  }
0x54: {  	_ =	shalt  }
0x55: {  	_ =	shalt  }
0x56: {  	_ =	shalt  }
0x57: {  	_ =	shalt  }
0x58: {  	_ =	shalt  }
0x59: {  	_ =	shalt  }
0x5a: {  	_ =	shalt  }
0x5b: {  	_ =	shalt  }
0x5c: {  	_ =	shalt  }
0x5d: {  	_ =	shalt  }
0x5e: {  	_ =	shalt  }
0x5f: {  	_ =	shalt  }
0x60: {  	_ =	shalt  }
0x61: {  	_ =	shalt  }
0x62: {  	_ =	shalt  }
0x63: {  	_ =	shalt  }
0x64: {  	_ =	shalt  }
0x65: {  	_ =	shalt  }
0x66: {  	_ =	shalt  }
0x67: {  	_ =	shalt  }
0x68: {  	_ =	shalt  }
0x69: {  	_ =	shalt  }
0x6a: {  	_ =	shalt  }
0x6b: {  	_ =	shalt  }
0x6c: {  	_ =	shalt  }
0x6d: {  	_ =	shalt  }
0x6e: {  	_ =	shalt  }
0x6f: {  	_ =	shalt  }
0x70: {  	_ =	shalt  }
0x71: {  	_ =	shalt  }
0x72: {  	_ =	shalt  }
0x73: {  	_ =	shalt  }
0x74: {  	_ =	shalt  }
0x75: {  	_ =	shalt  }
0x76: {  	_ =	shalt  }
0x77: {  	_ =	shalt  }
0x78: {  	_ =	shalt  }
0x79: {  	_ =	shalt  }
0x7a: {  	_ =	shalt  }
0x7b: {  	_ =	shalt  }
0x7c: {  	_ =	shalt  }
0x7d: {  	_ =	shalt  }
0x7e: {  	_ =	shalt  }
0x7f: {  	_ =	shalt  }
0x80: {  	_ =	shalt  }
0x81: {  	_ =	shalt  }
0x82: {  	_ =	shalt  }
0x83: {  	_ =	shalt  }
0x84: {  	_ =	shalt  }
0x85: {  	_ =	shalt  }
0x86: {  	_ =	shalt  }
0x87: {  	_ =	shalt  }
.Lfunc_end0:
.L_simem_size_0:
called_computation_lowered:
.L_overlay_start_0:
0x88: {  	s2 =	sld [smem:$0x3FD9]  }
0x89: {  	s3 =	sld [smem:$0x3FFE];
	_ =	sdelay $0x1  }
0x8a: {  	s1 =	srdreg.scid  }
0x8b: {  	s0 =	sand.u32 $0x1, s1  }
0x8c: {  	s14 =	sshll.u32 s0, $0xA;
	s2 =	sadd.s32 s3, s2  }
0x8d: {  	s2 =	sadd.s32 s2, s14  }
0x8e: {  	[smem:$0x3FC3] =	sst s2  }
0x8f: {  	_ = 	snop  }
0x90: {  	s2 =	sld [smem:$0x3FD0]  }
0x91: {  	s15 =	sld [smem:$0x3FC9]  }
0x92: {  	s4 =	sld [smem:$0x3FC8]  }
0x93: {  	s6 =	simm.s32 $0xA;
	s7 =	simm.s32 $0x10;
	s5 =	sld [smem:$0x3FC7]  }
0x94: {  	[smem:s7], [sflag:s6] =	dma.local [hbm:s2], $0x1  }
0x95: {  	_ =	swait.eq [sflag:s6], $0x1  }
0x96: {  	[sflag:s6] =	ssyncset.done $0x0  }
0x97: {  	s16 =	sld [smem:$0x10];
	[sflag:s6] =	ssyncadd.s32 $0xFFFFFFFF  }
0x98: {  	s17 =	sld [smem:$0x11];
	(tm) =	ssettm $0x1  }
0x99: {  	s18 =	sld [smem:$0x3FFB];
	_ =	sdelay $0x3  }
0x9a: {  	_ =	strace s18  }
0x9b: {  	s7 =	sld [smem:$0x3FFC];
	_ =	sdelay $0x3  }
0x9c: {  	_ =	strace s7  }
0x9d: {  	s7 =	sld [smem:$0x3FFD];
	_ =	sdelay $0x3  }
0x9e: {  	_ =	strace s7  }
0x9f: {  	_ =	strace $0x8FFFFFFF  }
0xa0: {  	s19 =	sld [smem:$0x3FDB];
	_ =	sdelay $0x1  }
0xa1: {  	s8 =	simm.s32 $_scs_section_size  }
0xa2: {  	s9 =	simm.s32 $_size__tile_overlayer_lowered;
	s10 =	simm.s32 $_tile_overlayer_lowered  }
0xa3: {  	s22 =	simm.s32 $0x1BFF;
	s21 =	sshll.u32 s10, $0x1;
	s7 =	sadd.s32 s8, s19  }
0xa4: {  	s11 =	simm.s32 $0x0;
	s20 =	sshll.u32 s9, $0x1;
	s9 =	sadd.s32 s21, s7  }
0xa5: {  	[timem:s11], [sflag:s22] =	dma.local [hbm:s9], s20  }
0xa6: {  	_ =	swait.ge [sflag:s22], s20  }
0xa7: {  	s8 =	ssub.s32 $0x0, s20;
	[sflag:s22] =	ssyncset.done $0x0  }
0xa8: {  	[sflag:s22] =	ssyncadd.s32 s8;
	_ =	sdelay $0x1  }
0xa9: {  	s23 =	simm.s32 $0x1B8B  }
0xaa: {  	_ =	swait.ge [sflag:s23], $0x1  }
0xab: {  	[sflag:s23] =	ssyncset.done $0x0  }
0xac: {  	s25 =	simm.s32 $0x1B8E;
	s24 =	sld [smem:$0x3FFE];
	[sflag:s23] =	ssyncadd.s32 $0xFFFFFFFF  }
0xad: {  	s26 =	simm.s32 $execute0_lowered;
	[smem:$0x3FD2] =	sst s25  }
0xae: {  	s9 =	sshll.u32 s26, $0x1;
	_ =	strace $0x80000046;
	[dreg:$0x1] =	wrdreg $0xFFFFFFFF  }
0xaf: {  	s28 =	simm.s32 $_size_execute0_lowered;
	s7 =	sadd.s32 s7, s9;
	[dreg:$0x0] =	wrdreg $0x0  }
0xb0: {  	s9 =	sshll.u32 s28, $0x1;
	[dreg:$0x2] =	wrdreg s7  }
0xb1: {  	[dreg:$0x3] =	wrdreg s9  }
0xb2: {  	[dreg:$0x4] =	wrdreg $0xC0  }
0xb3: {  	_ =	task [dreg:s11], $0x5FFFF  }
0xb4: {  	[dreg:$0x1] =	wrdreg $0xFFFFFFFF  }
0xb5: {  	[dreg:$0x0] =	wrdreg $0x60  }
0xb6: {  	[dreg:$0x2] =	wrdreg s15  }
0xb7: {  	[dreg:$0x3] =	wrdreg s4  }
0xb8: {  	[dreg:$0x4] =	wrdreg s5  }
0xb9: {  	[dreg:$0x5] =	wrdreg s24  }
0xba: {  	[dreg:$0x6] =	wrdreg s16  }
0xbb: {  	[dreg:$0x7] =	wrdreg s17  }
0xbc: {  	[dreg:$0x8] =	wrdreg $0x9  }
0xbd: {  	_ =	task.clear_ibuf [dreg:s11], $0x9FFFF;
	_ =	strace $0x90000046  }
0xbe: {  	s29 =	simm.s32 $0x9;
	_ =	strace $0x80000048  }
0xbf: {  	_ =	swait.ge [sflag:s29], $0x1  }
0xc0: {  	[sflag:s29] =	ssyncadd.s32 $0xFFFFFFFF  }
0xc1: {  	_ =	strace $0x90000048  }
0xc2: {  	_ =	sfence  }
0xc3: {  	s30 =	sld [smem:$0x0];
	_ =	sdelay $0x2  }
0xc4: {  	s31 =	sshll.u32 s1, $0xD;
	s1 =	sshrl.u32 s1, $0x2  }
0xc5: {  	s3 =	sand.u32 $0x4000, s31;
	s1 =	sadd.s32 s1, s30  }
0xc6: {  	s0 =	sor.u32 s3, s0;
	s1 =	sshll.u32 s1, $0x11  }
0xc7: {  	s0 =	sor.u32 s1, s0  }
0xc8: {  	s0 =	sadd.s32 $0x8F2B, s0  }
0xc9: {  	[sflag:s0] =	ssyncadd.remote.s32 $0x1  }
0xca: {  	_ =	sfence.sel $0xFFFF  }
0xcb: {  	[dreg:$0x0] =	wrdreg $0xFFFFFFFF;
	(pc) =	sbr.abs _section_cstart, $3  }
0xcc: {  	[dreg:$0x1] =	wrdreg $0xFFFFFFFF  }
0xcd: {  	_ =	task.clear_ibuf [dreg:s11], $0x2FFFF;
	_ =	strace $0x9FFFFFFF  }
0xce: {  	(tm) =	ssettm $0x7FFFFFFF  }
0xcf: {  	_ =	shalt  }
tec
execute0_lowered:
.L_overlay_start_1:
0x0: {  	(tag) =	ssettag $0x1  }
0x1: {  	s0 =	rddreg [dreg:$0x0]  }
0x2: {  	s2 =	rddreg [dreg:$0x1]  }
0x3: {  	s7 =	rddreg [dreg:$0x2]  }
0x4: {  	s4 =	rddreg [dreg:$0x3]  }
0x5: {  	s8 =	rddreg [dreg:$0x4]  }
0x6: {  	s9 =	rddreg [dreg:$0x5];
	s1 =	simm.s32 $0x0;
	s3 =	srdreg.scid  }
0x7: {  	s11 =	stileid.u32;
	s12 =	simm.s32 $0x200;
	s13 =	simm.s32 $0x400  }
0x8: {  	s14 =	simm.s32 $0x80;
	s28 =	simm.s32 $0x500;
	s29 =	simm.s32 $0x14600  }
0x9: {  	s30 =	simm.s32 $0x180;
	s31 =	simm.s32 $0x6600;
	s15 =	simm.s32 $0x580  }
0xa: {  	s16 =	simm.s32 $0x16600;
	s17 =	simm.s32 $0x1;
	s18 =	simm.s32 $0x18600  }
0xb: {  	v0 =	vlaneseq.u32;
	s19 =	simm.s32 $0x18700;
	s20 =	simm.s32 $0x18800;
	s21 =	simm.s32 $0x18A00  }
0xc: {  	s22 =	simm.s32 $0x0;
	[smem:$0x7FF] =	sst s1;
	s5 =	sand.u32 $0x1, s3;
	v0 =	vmul.u32 $0x10, v0  }
0xd: {  	s3 =	sadd.s32 $0xF42C00, s4;
	s11 =	sshll.u32 s11, $0x7;
	s6 =	ssub.s32 $0x2, s5  }
0xe: {  	s4 =	sadd.s32 $0x16E3E00, s4;
	s5 =	sshll.u32 s5, $0x6;
	s10 =	sshrl.u32 s6, $0x1;
	v1 =	vor.u32 $0x1, v0;
	v2 =	vor.u32 $0x2, v0;
	v3 =	vor.u32 $0x3, v0  }
0xf: {  	_ =	strace $0x80000047;
	s11 =	sor.u32 s5, s11;
	v4 =	vor.u32 $0x4, v0;
	v5 =	vor.u32 $0x5, v0;
	v6 =	vor.u32 $0x6, v0;
	s10 =	ssub.s32 s6, s10  }
0x10: {  	v7 =	vor.u32 $0x7, v0;
	v8 =	vor.u32 $0x8, v0;
	v9 =	vor.u32 $0x9, v0;
	s5 =	sadd.s32 s0, s11;
	s6 =	sadd.s32 s2, s11;
	s7 =	sadd.s32 s7, s11  }
0x11: {  	v10 =	vor.u32 $0xA, v0;
	v11 =	vor.u32 $0xB, v0;
	v12 =	vor.u32 $0xC, v0;
	s8 =	sadd.s32 s8, s11;
	s9 =	sadd.s32 s9, s11;
	s11 =	simm.s32 $0x2  }
0x12: {  	v13 =	vor.u32 $0xD, v0;
	v14 =	vor.u32 $0xE, v0;
	v15 =	vor.u32 $0xF, v0;
	s0 =	simm.s32 $0x380;
	s2 =	simm.s32 $0xE600;
	s10 =	smax.u32 s10, $0x1  }
.LBB2_1:
0x13: {  	[tilespmem:s1], [sflag:$0x2] =	stream.linear.gather [hbm4b:s5+s1], $0x200, $0x38;
	[tilespmem:$0x18C00] =	vst v63  }
0x14: {  	_ =	swait.ge [sflag:s11], $0x200  }
0x15: {  	[sflag:s11] =	ssyncset.done $0x0  }
0x16: {  	[sflag:s11] =	ssyncadd.s32 $0xFFFFFE00  }
0x17: {  	[tilespmem:s12], [sflag:$0x2] =	stream.linear.gather [hbm4b:s6+s1], $0x200, $0x38;
	[tilespmem:$0x18C00] =	vst v63  }
0x18: {  	_ =	swait.ge [sflag:s11], $0x200  }
0x19: {  	[sflag:s11] =	ssyncset.done $0x0  }
0x1a: {  	[sflag:s11] =	ssyncadd.s32 $0xFFFFFE00  }
0x1b: {  	[tilespmem:s13], [sflag:$0x2] =	stream.linear.gather [hbm4b:s7+s1], $0x200, $0x38;
	[tilespmem:$0x18C00] =	vst v63  }
0x1c: {  	_ =	swait.ge [sflag:s11], $0x200  }
0x1d: {  	[sflag:s11] =	ssyncset.done $0x0  }
0x1e: {  	s23 =	simm.s32 $0x600;
	[sflag:s11] =	ssyncadd.s32 $0xFFFFFE00  }
0x1f: {  	[tilespmem:s23], [sflag:$0x1] =	stream.indirect.gather [hbm4b:s3+s14], $0x40, s1, s14, $0xb8;
	[tilespmem:$0x18C00] =	vst v63  }
0x20: {  	s26 =	simm.s32 $0x8600  }
0x21: {  	[tilespmem:s26], [sflag:$0x1] =	stream.indirect.gather [hbm4b:s4+s14], $0x40, s12, s14, $0xb8;
	[tilespmem:$0x18C00] =	vst v63  }
0x22: {  	s24 =	simm.s32 $0x10600  }
0x23: {  	[tilespmem:s24], [sflag:$0x1] =	stream.indirect.gather [hbm4b:s4+s14], $0x40, s13, s14, $0xb8;
	[tilespmem:$0x18C00] =	vst v63  }
0x24: {  	s25 =	simm.s32 $0x2600  }
0x25: {  	[tilespmem:s25], [sflag:$0x1] =	stream.indirect.gather [hbm4b:s3+s14], $0x40, s14, s14, $0xb8;
	[tilespmem:$0x18C00] =	vst v63  }
0x26: {  	s26 =	simm.s32 $0x280;
	s24 =	simm.s32 $0xA600  }
0x27: {  	[tilespmem:s24], [sflag:$0x1] =	stream.indirect.gather [hbm4b:s4+s14], $0x40, s26, s14, $0xb8;
	[tilespmem:$0x18C00] =	vst v63  }
0x28: {  	s25 =	simm.s32 $0x480;
	s26 =	simm.s32 $0x12600  }
0x29: {  	[tilespmem:s26], [sflag:$0x1] =	stream.indirect.gather [hbm4b:s4+s14], $0x40, s25, s14, $0xb8;
	[tilespmem:$0x18C00] =	vst v63  }
0x2a: {  	s25 =	simm.s32 $0x100;
	s26 =	simm.s32 $0x4600  }
0x2b: {  	[tilespmem:s26], [sflag:$0x1] =	stream.indirect.gather [hbm4b:s3+s14], $0x40, s25, s14, $0xb8;
	[tilespmem:$0x18C00] =	vst v63  }
0x2c: {  	s25 =	simm.s32 $0x300;
	s26 =	simm.s32 $0xC600  }
0x2d: {  	[tilespmem:s26], [sflag:$0x1] =	stream.indirect.gather [hbm4b:s4+s14], $0x40, s25, s14, $0xb8;
	[tilespmem:$0x18C00] =	vst v63  }
0x2e: {  	_ = 	snop  }
0x2f: {  	[tilespmem:s29], [sflag:$0x1] =	stream.indirect.gather [hbm4b:s4+s14], $0x40, s28, s14, $0xb8;
	[tilespmem:$0x18C00] =	vst v63  }
0x30: {  	_ = 	snop  }
0x31: {  	[tilespmem:s31], [sflag:$0x1] =	stream.indirect.gather [hbm4b:s3+s14], $0x40, s30, s14, $0xb8;
	[tilespmem:$0x18C00] =	vst v63  }
0x32: {  	_ = 	snop  }
0x33: {  	[tilespmem:s2], [sflag:$0x1] =	stream.indirect.gather [hbm4b:s4+s14], $0x40, s0, s14, $0xb8;
	[tilespmem:$0x18C00] =	vst v63  }
0x34: {  	_ = 	snop  }
0x35: {  	[tilespmem:s16], [sflag:$0x1] =	stream.indirect.gather [hbm4b:s4+s14], $0x40, s15, s14, $0xb8;
	[tilespmem:$0x18C00] =	vst v63  }
0x36: {  	_ =	swait.ge [sflag:s17], $0x2000  }
0x37: {  	[sflag:s17] =	ssyncset.done $0x0  }
0x38: {  	[sflag:s17] =	ssyncadd.s32 $0xFFFFE000  }
0x39: {  	_ =	swait.ge [sflag:s17], $0x2000  }
0x3a: {  	[sflag:s17] =	ssyncset.done $0x0  }
0x3b: {  	[sflag:s17] =	ssyncadd.s32 $0xFFFFE000  }
0x3c: {  	_ =	swait.ge [sflag:s17], $0x2000  }
0x3d: {  	[sflag:s17] =	ssyncset.done $0x0  }
0x3e: {  	[sflag:s17] =	ssyncadd.s32 $0xFFFFE000  }
0x3f: {  	_ =	swait.ge [sflag:s17], $0x2000  }
0x40: {  	[sflag:s17] =	ssyncset.done $0x0  }
0x41: {  	[sflag:s17] =	ssyncadd.s32 $0xFFFFE000  }
0x42: {  	_ =	swait.ge [sflag:s17], $0x2000  }
0x43: {  	[sflag:s17] =	ssyncset.done $0x0  }
0x44: {  	[sflag:s17] =	ssyncadd.s32 $0xFFFFE000  }
0x45: {  	_ =	swait.ge [sflag:s17], $0x2000  }
0x46: {  	[sflag:s17] =	ssyncset.done $0x0  }
0x47: {  	[sflag:s17] =	ssyncadd.s32 $0xFFFFE000  }
0x48: {  	_ =	swait.ge [sflag:s17], $0x2000  }
0x49: {  	[sflag:s17] =	ssyncset.done $0x0  }
0x4a: {  	[sflag:s17] =	ssyncadd.s32 $0xFFFFE000  }
0x4b: {  	_ =	swait.ge [sflag:s17], $0x2000  }
0x4c: {  	[sflag:s17] =	ssyncset.done $0x0  }
0x4d: {  	[sflag:s17] =	ssyncadd.s32 $0xFFFFE000  }
0x4e: {  	_ =	swait.ge [sflag:s17], $0x2000  }
0x4f: {  	[sflag:s17] =	ssyncset.done $0x0  }
0x50: {  	[sflag:s17] =	ssyncadd.s32 $0xFFFFE000  }
0x51: {  	_ =	swait.ge [sflag:s17], $0x2000  }
0x52: {  	[sflag:s17] =	ssyncset.done $0x0  }
0x53: {  	[sflag:s17] =	ssyncadd.s32 $0xFFFFE000  }
0x54: {  	_ =	swait.ge [sflag:s17], $0x2000  }
0x55: {  	[sflag:s17] =	ssyncset.done $0x0  }
0x56: {  	[sflag:s17] =	ssyncadd.s32 $0xFFFFE000  }
0x57: {  	_ =	swait.ge [sflag:s17], $0x2000  }
0x58: {  	s23 =	simm.s32 $0x18A00;
	[sflag:s17] =	ssyncset.done $0x0  }
0x59: {  	s24 =	simm.s32 $0x18800;
	s25 =	simm.s32 $0x0;
	[sflag:s17] =	ssyncadd.s32 $0xFFFFE000  }
.LBB2_2:
0x5a: {  	s26 =	sshra.s32 s25, $0x2  }
0x5b: {  	v16 =	vld [tilespmem:s26+$0x600]  }
0x5c: {  	v17 =	vld [tilespmem:s26+$0x8600]  }
0x5d: {  	v18 =	vld [tilespmem:s26+$0x10600]  }
0x5e: {  	v19 =	vld [tilespmem:s26+$0x610]  }
0x5f: {  	v20 =	vld [tilespmem:s26+$0x8610]  }
0x60: {  	v21 =	vld [tilespmem:s26+$0x10610]  }
0x61: {  	v22 =	vld [tilespmem:s26+$0x620]  }
0x62: {  	v23 =	vld [tilespmem:s26+$0x8620]  }
0x63: {  	v24 =	vld [tilespmem:s26+$0x10620]  }
0x64: {  	v25 =	vld [tilespmem:s26+$0x630]  }
0x65: {  	v26 =	vld [tilespmem:s26+$0x8630]  }
0x66: {  	v27 =	vld [tilespmem:s26+$0x10630];
	v17 =	vmul.f32 v17, v16;
	v20 =	vmul.f32 v20, v19  }
0x67: {  	v16 =	vmul.f32 v18, v16;
	v49 =	vmul.f32 v21, v19  }
0x68: {  	v50 =	vmul.f32 v23, v22;
	v17 =	vadd.f32 v20, v17  }
0x69: {  	v51 =	vmul.f32 v24, v22;
	v16 =	vadd.f32 v49, v16  }
0x6a: {  	v52 =	vmul.f32 v26, v25;
	v17 =	vadd.f32 v50, v17  }
0x6b: {  	v53 =	vmul.f32 v27, v25;
	v16 =	vadd.f32 v51, v16  }
0x6c: {  	v17 =	vadd.f32 v52, v17  }
0x6d: {  	v16 =	vadd.f32 v53, v16  }
0x6e: {  	[tilespmem:v0+s18+$0x0] =	vst.idx.msk $0xffff, v17  }
0x6f: {  	[tilespmem:v0+s19+$0x0] =	vst.idx.msk $0xffff, v16  }
0x70: {  	v16 =	vld [tilespmem:s26+$0x640]  }
0x71: {  	v17 =	vld [tilespmem:s26+$0x8640]  }
0x72: {  	v54 =	vld [tilespmem:s26+$0x10640]  }
0x73: {  	v55 =	vld [tilespmem:s26+$0x650]  }
0x74: {  	v56 =	vld [tilespmem:s26+$0x8650]  }
0x75: {  	v57 =	vld [tilespmem:s26+$0x10650]  }
0x76: {  	v58 =	vld [tilespmem:s26+$0x660]  }
0x77: {  	v59 =	vld [tilespmem:s26+$0x8660]  }
0x78: {  	v60 =	vld [tilespmem:s26+$0x10660]  }
0x79: {  	v61 =	vld [tilespmem:s26+$0x670]  }
0x7a: {  	v62 =	vld [tilespmem:s26+$0x8670]  }
0x7b: {  	v63 =	vld [tilespmem:s26+$0x10670];
	v17 =	vmul.f32 v17, v16;
	v20 =	vmul.f32 v56, v55  }
0x7c: {  	v16 =	vmul.f32 v54, v16;
	v21 =	vmul.f32 v57, v55  }
0x7d: {  	v28 =	vmul.f32 v59, v58;
	v17 =	vadd.f32 v20, v17  }
0x7e: {  	v29 =	vmul.f32 v60, v58;
	v16 =	vadd.f32 v21, v16  }
0x7f: {  	v30 =	vmul.f32 v62, v61;
	v17 =	vadd.f32 v28, v17  }
0x80: {  	v31 =	vmul.f32 v63, v61;
	v16 =	vadd.f32 v29, v16  }
0x81: {  	v17 =	vadd.f32 v30, v17  }
0x82: {  	v16 =	vadd.f32 v31, v16  }
0x83: {  	[tilespmem:v1+s18+$0x0] =	vst.idx.msk $0xffff, v17  }
0x84: {  	[tilespmem:v1+s19+$0x0] =	vst.idx.msk $0xffff, v16  }
0x85: {  	v16 =	vld [tilespmem:s26+$0x680]  }
0x86: {  	v17 =	vld [tilespmem:s26+$0x8680]  }
0x87: {  	v32 =	vld [tilespmem:s26+$0x10680]  }
0x88: {  	v33 =	vld [tilespmem:s26+$0x690]  }
0x89: {  	v34 =	vld [tilespmem:s26+$0x8690]  }
0x8a: {  	v35 =	vld [tilespmem:s26+$0x10690]  }
0x8b: {  	v36 =	vld [tilespmem:s26+$0x6A0]  }
0x8c: {  	v37 =	vld [tilespmem:s26+$0x86A0]  }
0x8d: {  	v38 =	vld [tilespmem:s26+$0x106A0]  }
0x8e: {  	v39 =	vld [tilespmem:s26+$0x6B0]  }
0x8f: {  	v40 =	vld [tilespmem:s26+$0x86B0]  }
0x90: {  	v41 =	vld [tilespmem:s26+$0x106B0];
	v17 =	vmul.f32 v17, v16;
	v20 =	vmul.f32 v34, v33  }
0x91: {  	v16 =	vmul.f32 v32, v16;
	v42 =	vmul.f32 v35, v33  }
0x92: {  	v43 =	vmul.f32 v37, v36;
	v17 =	vadd.f32 v20, v17  }
0x93: {  	v44 =	vmul.f32 v38, v36;
	v16 =	vadd.f32 v42, v16  }
0x94: {  	v45 =	vmul.f32 v40, v39;
	v17 =	vadd.f32 v43, v17  }
0x95: {  	v46 =	vmul.f32 v41, v39;
	v16 =	vadd.f32 v44, v16  }
0x96: {  	v17 =	vadd.f32 v45, v17  }
0x97: {  	v16 =	vadd.f32 v46, v16  }
0x98: {  	[tilespmem:v2+s18+$0x0] =	vst.idx.msk $0xffff, v17  }
0x99: {  	[tilespmem:v2+s19+$0x0] =	vst.idx.msk $0xffff, v16  }
0x9a: {  	v16 =	vld [tilespmem:s26+$0x6C0]  }
0x9b: {  	v17 =	vld [tilespmem:s26+$0x86C0]  }
0x9c: {  	v47 =	vld [tilespmem:s26+$0x106C0]  }
0x9d: {  	v48 =	vld [tilespmem:s26+$0x6D0]  }
0x9e: {  	v49 =	vld [tilespmem:s26+$0x86D0]  }
0x9f: {  	v50 =	vld [tilespmem:s26+$0x106D0]  }
0xa0: {  	v51 =	vld [tilespmem:s26+$0x6E0]  }
0xa1: {  	v52 =	vld [tilespmem:s26+$0x86E0]  }
0xa2: {  	v53 =	vld [tilespmem:s26+$0x106E0]  }
0xa3: {  	v54 =	vld [tilespmem:s26+$0x6F0]  }
0xa4: {  	v55 =	vld [tilespmem:s26+$0x86F0]  }
0xa5: {  	v56 =	vld [tilespmem:s26+$0x106F0];
	v17 =	vmul.f32 v17, v16;
	v20 =	vmul.f32 v49, v48  }
0xa6: {  	v16 =	vmul.f32 v47, v16;
	v57 =	vmul.f32 v50, v48  }
0xa7: {  	v58 =	vmul.f32 v52, v51;
	v17 =	vadd.f32 v20, v17  }
0xa8: {  	v59 =	vmul.f32 v53, v51;
	v16 =	vadd.f32 v57, v16  }
0xa9: {  	v60 =	vmul.f32 v55, v54;
	v17 =	vadd.f32 v58, v17  }
0xaa: {  	v61 =	vmul.f32 v56, v54;
	v16 =	vadd.f32 v59, v16  }
0xab: {  	v17 =	vadd.f32 v60, v17  }
0xac: {  	v16 =	vadd.f32 v61, v16  }
0xad: {  	[tilespmem:v3+s18+$0x0] =	vst.idx.msk $0xffff, v17  }
0xae: {  	[tilespmem:v3+s19+$0x0] =	vst.idx.msk $0xffff, v16  }
0xaf: {  	v16 =	vld [tilespmem:s26+$0x700]  }
0xb0: {  	v17 =	vld [tilespmem:s26+$0x8700]  }
0xb1: {  	v62 =	vld [tilespmem:s26+$0x10700]  }
0xb2: {  	v63 =	vld [tilespmem:s26+$0x710]  }
0xb3: {  	v30 =	vld [tilespmem:s26+$0x8710]  }
0xb4: {  	v31 =	vld [tilespmem:s26+$0x10710]  }
0xb5: {  	v32 =	vld [tilespmem:s26+$0x720]  }
0xb6: {  	v33 =	vld [tilespmem:s26+$0x8720]  }
0xb7: {  	v34 =	vld [tilespmem:s26+$0x10720]  }
0xb8: {  	v35 =	vld [tilespmem:s26+$0x730]  }
0xb9: {  	v36 =	vld [tilespmem:s26+$0x8730]  }
0xba: {  	v37 =	vld [tilespmem:s26+$0x10730];
	v17 =	vmul.f32 v17, v16;
	v20 =	vmul.f32 v30, v63  }
0xbb: {  	v16 =	vmul.f32 v62, v16;
	v38 =	vmul.f32 v31, v63  }
0xbc: {  	v39 =	vmul.f32 v33, v32;
	v17 =	vadd.f32 v20, v17  }
0xbd: {  	v40 =	vmul.f32 v34, v32;
	v16 =	vadd.f32 v38, v16  }
0xbe: {  	v41 =	vmul.f32 v36, v35;
	v17 =	vadd.f32 v39, v17  }
0xbf: {  	v42 =	vmul.f32 v37, v35;
	v16 =	vadd.f32 v40, v16  }
0xc0: {  	v17 =	vadd.f32 v41, v17  }
0xc1: {  	v16 =	vadd.f32 v42, v16  }
0xc2: {  	[tilespmem:v4+s18+$0x0] =	vst.idx.msk $0xffff, v17  }
0xc3: {  	[tilespmem:v4+s19+$0x0] =	vst.idx.msk $0xffff, v16  }
0xc4: {  	v16 =	vld [tilespmem:s26+$0x740]  }
0xc5: {  	v17 =	vld [tilespmem:s26+$0x8740]  }
0xc6: {  	v43 =	vld [tilespmem:s26+$0x10740]  }
0xc7: {  	v44 =	vld [tilespmem:s26+$0x750]  }
0xc8: {  	v45 =	vld [tilespmem:s26+$0x8750]  }
0xc9: {  	v46 =	vld [tilespmem:s26+$0x10750]  }
0xca: {  	v47 =	vld [tilespmem:s26+$0x760]  }
0xcb: {  	v48 =	vld [tilespmem:s26+$0x8760]  }
0xcc: {  	v49 =	vld [tilespmem:s26+$0x10760]  }
0xcd: {  	v50 =	vld [tilespmem:s26+$0x770]  }
0xce: {  	v51 =	vld [tilespmem:s26+$0x8770]  }
0xcf: {  	v52 =	vld [tilespmem:s26+$0x10770];
	v17 =	vmul.f32 v17, v16;
	v20 =	vmul.f32 v45, v44  }
0xd0: {  	v16 =	vmul.f32 v43, v16;
	v53 =	vmul.f32 v46, v44  }
0xd1: {  	v54 =	vmul.f32 v48, v47;
	v17 =	vadd.f32 v20, v17  }
0xd2: {  	v55 =	vmul.f32 v49, v47;
	v16 =	vadd.f32 v53, v16  }
0xd3: {  	v56 =	vmul.f32 v51, v50;
	v17 =	vadd.f32 v54, v17  }
0xd4: {  	v57 =	vmul.f32 v52, v50;
	v16 =	vadd.f32 v55, v16  }
0xd5: {  	v17 =	vadd.f32 v56, v17  }
0xd6: {  	v16 =	vadd.f32 v57, v16  }
0xd7: {  	[tilespmem:v5+s18+$0x0] =	vst.idx.msk $0xffff, v17  }
0xd8: {  	[tilespmem:v5+s19+$0x0] =	vst.idx.msk $0xffff, v16  }
0xd9: {  	v16 =	vld [tilespmem:s26+$0x780]  }
0xda: {  	v17 =	vld [tilespmem:s26+$0x8780]  }
0xdb: {  	v58 =	vld [tilespmem:s26+$0x10780]  }
0xdc: {  	v59 =	vld [tilespmem:s26+$0x790]  }
0xdd: {  	v60 =	vld [tilespmem:s26+$0x8790]  }
0xde: {  	v61 =	vld [tilespmem:s26+$0x10790]  }
0xdf: {  	v62 =	vld [tilespmem:s26+$0x7A0]  }
0xe0: {  	v63 =	vld [tilespmem:s26+$0x87A0]  }
0xe1: {  	v30 =	vld [tilespmem:s26+$0x107A0]  }
0xe2: {  	v31 =	vld [tilespmem:s26+$0x7B0]  }
0xe3: {  	v32 =	vld [tilespmem:s26+$0x87B0]  }
0xe4: {  	v33 =	vld [tilespmem:s26+$0x107B0];
	v17 =	vmul.f32 v17, v16;
	v20 =	vmul.f32 v60, v59  }
0xe5: {  	v16 =	vmul.f32 v58, v16;
	v34 =	vmul.f32 v61, v59  }
0xe6: {  	v35 =	vmul.f32 v63, v62;
	v17 =	vadd.f32 v20, v17  }
0xe7: {  	v36 =	vmul.f32 v30, v62;
	v16 =	vadd.f32 v34, v16  }
0xe8: {  	v37 =	vmul.f32 v32, v31;
	v17 =	vadd.f32 v35, v17  }
0xe9: {  	v38 =	vmul.f32 v33, v31;
	v16 =	vadd.f32 v36, v16  }
0xea: {  	v17 =	vadd.f32 v37, v17  }
0xeb: {  	v16 =	vadd.f32 v38, v16  }
0xec: {  	[tilespmem:v6+s18+$0x0] =	vst.idx.msk $0xffff, v17  }
0xed: {  	[tilespmem:v6+s19+$0x0] =	vst.idx.msk $0xffff, v16  }
0xee: {  	v16 =	vld [tilespmem:s26+$0x7C0]  }
0xef: {  	v17 =	vld [tilespmem:s26+$0x87C0]  }
0xf0: {  	v39 =	vld [tilespmem:s26+$0x107C0]  }
0xf1: {  	v40 =	vld [tilespmem:s26+$0x7D0]  }
0xf2: {  	v41 =	vld [tilespmem:s26+$0x87D0]  }
0xf3: {  	v42 =	vld [tilespmem:s26+$0x107D0]  }
0xf4: {  	v43 =	vld [tilespmem:s26+$0x7E0]  }
0xf5: {  	v44 =	vld [tilespmem:s26+$0x87E0]  }
0xf6: {  	v45 =	vld [tilespmem:s26+$0x107E0]  }
0xf7: {  	v46 =	vld [tilespmem:s26+$0x7F0]  }
0xf8: {  	v47 =	vld [tilespmem:s26+$0x87F0]  }
0xf9: {  	v48 =	vld [tilespmem:s26+$0x107F0];
	v17 =	vmul.f32 v17, v16;
	v20 =	vmul.f32 v41, v40  }
0xfa: {  	v16 =	vmul.f32 v39, v16;
	v49 =	vmul.f32 v42, v40  }
0xfb: {  	v50 =	vmul.f32 v44, v43;
	v17 =	vadd.f32 v20, v17  }
0xfc: {  	v51 =	vmul.f32 v45, v43;
	v16 =	vadd.f32 v49, v16  }
0xfd: {  	v52 =	vmul.f32 v47, v46;
	v17 =	vadd.f32 v50, v17  }
0xfe: {  	v53 =	vmul.f32 v48, v46;
	v16 =	vadd.f32 v51, v16  }
0xff: {  	v17 =	vadd.f32 v52, v17  }
0x100: {  	v16 =	vadd.f32 v53, v16  }
0x101: {  	[tilespmem:v7+s18+$0x0] =	vst.idx.msk $0xffff, v17  }
0x102: {  	[tilespmem:v7+s19+$0x0] =	vst.idx.msk $0xffff, v16  }
0x103: {  	v16 =	vld [tilespmem:s26+$0x800]  }
0x104: {  	v17 =	vld [tilespmem:s26+$0x8800]  }
0x105: {  	v54 =	vld [tilespmem:s26+$0x10800]  }
0x106: {  	v55 =	vld [tilespmem:s26+$0x810]  }
0x107: {  	v56 =	vld [tilespmem:s26+$0x8810]  }
0x108: {  	v57 =	vld [tilespmem:s26+$0x10810]  }
0x109: {  	v58 =	vld [tilespmem:s26+$0x820]  }
0x10a: {  	v59 =	vld [tilespmem:s26+$0x8820]  }
0x10b: {  	v60 =	vld [tilespmem:s26+$0x10820]  }
0x10c: {  	v61 =	vld [tilespmem:s26+$0x830]  }
0x10d: {  	v62 =	vld [tilespmem:s26+$0x8830]  }
0x10e: {  	v63 =	vld [tilespmem:s26+$0x10830];
	v17 =	vmul.f32 v17, v16;
	v20 =	vmul.f32 v56, v55  }
0x10f: {  	v16 =	vmul.f32 v54, v16;
	v21 =	vmul.f32 v57, v55  }
0x110: {  	v28 =	vmul.f32 v59, v58;
	v17 =	vadd.f32 v20, v17  }
0x111: {  	v29 =	vmul.f32 v60, v58;
	v16 =	vadd.f32 v21, v16  }
0x112: {  	v30 =	vmul.f32 v62, v61;
	v17 =	vadd.f32 v28, v17  }
0x113: {  	v31 =	vmul.f32 v63, v61;
	v16 =	vadd.f32 v29, v16  }
0x114: {  	v17 =	vadd.f32 v30, v17  }
0x115: {  	v16 =	vadd.f32 v31, v16  }
0x116: {  	[tilespmem:v8+s18+$0x0] =	vst.idx.msk $0xffff, v17  }
0x117: {  	[tilespmem:v8+s19+$0x0] =	vst.idx.msk $0xffff, v16  }
0x118: {  	v16 =	vld [tilespmem:s26+$0x840]  }
0x119: {  	v17 =	vld [tilespmem:s26+$0x8840]  }
0x11a: {  	v32 =	vld [tilespmem:s26+$0x10840]  }
0x11b: {  	v33 =	vld [tilespmem:s26+$0x850]  }
0x11c: {  	v34 =	vld [tilespmem:s26+$0x8850]  }
0x11d: {  	v35 =	vld [tilespmem:s26+$0x10850]  }
0x11e: {  	v36 =	vld [tilespmem:s26+$0x860]  }
0x11f: {  	v37 =	vld [tilespmem:s26+$0x8860]  }
0x120: {  	v38 =	vld [tilespmem:s26+$0x10860]  }
0x121: {  	v39 =	vld [tilespmem:s26+$0x870]  }
0x122: {  	v40 =	vld [tilespmem:s26+$0x8870]  }
0x123: {  	v41 =	vld [tilespmem:s26+$0x10870];
	v17 =	vmul.f32 v17, v16;
	v20 =	vmul.f32 v34, v33  }
0x124: {  	v16 =	vmul.f32 v32, v16;
	v42 =	vmul.f32 v35, v33  }
0x125: {  	v43 =	vmul.f32 v37, v36;
	v17 =	vadd.f32 v20, v17  }
0x126: {  	v44 =	vmul.f32 v38, v36;
	v16 =	vadd.f32 v42, v16  }
0x127: {  	v45 =	vmul.f32 v40, v39;
	v17 =	vadd.f32 v43, v17  }
0x128: {  	v46 =	vmul.f32 v41, v39;
	v16 =	vadd.f32 v44, v16  }
0x129: {  	v17 =	vadd.f32 v45, v17  }
0x12a: {  	v16 =	vadd.f32 v46, v16  }
0x12b: {  	[tilespmem:v9+s18+$0x0] =	vst.idx.msk $0xffff, v17  }
0x12c: {  	[tilespmem:v9+s19+$0x0] =	vst.idx.msk $0xffff, v16  }
0x12d: {  	v16 =	vld [tilespmem:s26+$0x880]  }
0x12e: {  	v17 =	vld [tilespmem:s26+$0x8880]  }
0x12f: {  	v47 =	vld [tilespmem:s26+$0x10880]  }
0x130: {  	v48 =	vld [tilespmem:s26+$0x890]  }
0x131: {  	v49 =	vld [tilespmem:s26+$0x8890]  }
0x132: {  	v50 =	vld [tilespmem:s26+$0x10890]  }
0x133: {  	v51 =	vld [tilespmem:s26+$0x8A0]  }
0x134: {  	v52 =	vld [tilespmem:s26+$0x88A0]  }
0x135: {  	v53 =	vld [tilespmem:s26+$0x108A0]  }
0x136: {  	v54 =	vld [tilespmem:s26+$0x8B0]  }
0x137: {  	v55 =	vld [tilespmem:s26+$0x88B0]  }
0x138: {  	v56 =	vld [tilespmem:s26+$0x108B0];
	v17 =	vmul.f32 v17, v16;
	v20 =	vmul.f32 v49, v48  }
0x139: {  	v16 =	vmul.f32 v47, v16;
	v57 =	vmul.f32 v50, v48  }
0x13a: {  	v58 =	vmul.f32 v52, v51;
	v17 =	vadd.f32 v20, v17  }
0x13b: {  	v59 =	vmul.f32 v53, v51;
	v16 =	vadd.f32 v57, v16  }
0x13c: {  	v60 =	vmul.f32 v55, v54;
	v17 =	vadd.f32 v58, v17  }
0x13d: {  	v61 =	vmul.f32 v56, v54;
	v16 =	vadd.f32 v59, v16  }
0x13e: {  	v17 =	vadd.f32 v60, v17  }
0x13f: {  	v16 =	vadd.f32 v61, v16  }
0x140: {  	[tilespmem:v10+s18+$0x0] =	vst.idx.msk $0xffff, v17  }
0x141: {  	[tilespmem:v10+s19+$0x0] =	vst.idx.msk $0xffff, v16  }
0x142: {  	v16 =	vld [tilespmem:s26+$0x8C0]  }
0x143: {  	v17 =	vld [tilespmem:s26+$0x88C0]  }
0x144: {  	v62 =	vld [tilespmem:s26+$0x108C0]  }
0x145: {  	v63 =	vld [tilespmem:s26+$0x8D0]  }
0x146: {  	v30 =	vld [tilespmem:s26+$0x88D0]  }
0x147: {  	v31 =	vld [tilespmem:s26+$0x108D0]  }
0x148: {  	v32 =	vld [tilespmem:s26+$0x8E0]  }
0x149: {  	v33 =	vld [tilespmem:s26+$0x88E0]  }
0x14a: {  	v34 =	vld [tilespmem:s26+$0x108E0]  }
0x14b: {  	v35 =	vld [tilespmem:s26+$0x8F0]  }
0x14c: {  	v36 =	vld [tilespmem:s26+$0x88F0]  }
0x14d: {  	v37 =	vld [tilespmem:s26+$0x108F0];
	v17 =	vmul.f32 v17, v16;
	v20 =	vmul.f32 v30, v63  }
0x14e: {  	v16 =	vmul.f32 v62, v16;
	v38 =	vmul.f32 v31, v63  }
0x14f: {  	v39 =	vmul.f32 v33, v32;
	v17 =	vadd.f32 v20, v17  }
0x150: {  	v40 =	vmul.f32 v34, v32;
	v16 =	vadd.f32 v38, v16  }
0x151: {  	v41 =	vmul.f32 v36, v35;
	v17 =	vadd.f32 v39, v17  }
0x152: {  	v42 =	vmul.f32 v37, v35;
	v16 =	vadd.f32 v40, v16  }
0x153: {  	v17 =	vadd.f32 v41, v17  }
0x154: {  	v16 =	vadd.f32 v42, v16  }
0x155: {  	[tilespmem:v11+s18+$0x0] =	vst.idx.msk $0xffff, v17  }
0x156: {  	[tilespmem:v11+s19+$0x0] =	vst.idx.msk $0xffff, v16  }
0x157: {  	v16 =	vld [tilespmem:s26+$0x900]  }
0x158: {  	v17 =	vld [tilespmem:s26+$0x8900]  }
0x159: {  	v43 =	vld [tilespmem:s26+$0x10900]  }
0x15a: {  	v44 =	vld [tilespmem:s26+$0x910]  }
0x15b: {  	v45 =	vld [tilespmem:s26+$0x8910]  }
0x15c: {  	v46 =	vld [tilespmem:s26+$0x10910]  }
0x15d: {  	v47 =	vld [tilespmem:s26+$0x920]  }
0x15e: {  	v48 =	vld [tilespmem:s26+$0x8920]  }
0x15f: {  	v49 =	vld [tilespmem:s26+$0x10920]  }
0x160: {  	v50 =	vld [tilespmem:s26+$0x930]  }
0x161: {  	v51 =	vld [tilespmem:s26+$0x8930]  }
0x162: {  	v52 =	vld [tilespmem:s26+$0x10930];
	v17 =	vmul.f32 v17, v16;
	v20 =	vmul.f32 v45, v44  }
0x163: {  	v16 =	vmul.f32 v43, v16;
	v53 =	vmul.f32 v46, v44  }
0x164: {  	v54 =	vmul.f32 v48, v47;
	v17 =	vadd.f32 v20, v17  }
0x165: {  	v55 =	vmul.f32 v49, v47;
	v16 =	vadd.f32 v53, v16  }
0x166: {  	v56 =	vmul.f32 v51, v50;
	v17 =	vadd.f32 v54, v17  }
0x167: {  	v57 =	vmul.f32 v52, v50;
	v16 =	vadd.f32 v55, v16  }
0x168: {  	v17 =	vadd.f32 v56, v17  }
0x169: {  	v16 =	vadd.f32 v57, v16  }
0x16a: {  	[tilespmem:v12+s18+$0x0] =	vst.idx.msk $0xffff, v17  }
0x16b: {  	[tilespmem:v12+s19+$0x0] =	vst.idx.msk $0xffff, v16  }
0x16c: {  	v16 =	vld [tilespmem:s26+$0x940]  }
0x16d: {  	v17 =	vld [tilespmem:s26+$0x8940]  }
0x16e: {  	v58 =	vld [tilespmem:s26+$0x10940]  }
0x16f: {  	v59 =	vld [tilespmem:s26+$0x950]  }
0x170: {  	v60 =	vld [tilespmem:s26+$0x8950]  }
0x171: {  	v61 =	vld [tilespmem:s26+$0x10950]  }
0x172: {  	v62 =	vld [tilespmem:s26+$0x960]  }
0x173: {  	v63 =	vld [tilespmem:s26+$0x8960]  }
0x174: {  	v30 =	vld [tilespmem:s26+$0x10960]  }
0x175: {  	v31 =	vld [tilespmem:s26+$0x970]  }
0x176: {  	v32 =	vld [tilespmem:s26+$0x8970]  }
0x177: {  	v33 =	vld [tilespmem:s26+$0x10970];
	v17 =	vmul.f32 v17, v16;
	v20 =	vmul.f32 v60, v59  }
0x178: {  	v16 =	vmul.f32 v58, v16;
	v34 =	vmul.f32 v61, v59  }
0x179: {  	v35 =	vmul.f32 v63, v62;
	v17 =	vadd.f32 v20, v17  }
0x17a: {  	v36 =	vmul.f32 v30, v62;
	v16 =	vadd.f32 v34, v16  }
0x17b: {  	v37 =	vmul.f32 v32, v31;
	v17 =	vadd.f32 v35, v17  }
0x17c: {  	v38 =	vmul.f32 v33, v31;
	v16 =	vadd.f32 v36, v16  }
0x17d: {  	v17 =	vadd.f32 v37, v17  }
0x17e: {  	v16 =	vadd.f32 v38, v16  }
0x17f: {  	[tilespmem:v13+s18+$0x0] =	vst.idx.msk $0xffff, v17  }
0x180: {  	[tilespmem:v13+s19+$0x0] =	vst.idx.msk $0xffff, v16  }
0x181: {  	v16 =	vld [tilespmem:s26+$0x980]  }
0x182: {  	v17 =	vld [tilespmem:s26+$0x8980]  }
0x183: {  	v39 =	vld [tilespmem:s26+$0x10980]  }
0x184: {  	v40 =	vld [tilespmem:s26+$0x990]  }
0x185: {  	v41 =	vld [tilespmem:s26+$0x8990]  }
0x186: {  	v42 =	vld [tilespmem:s26+$0x10990]  }
0x187: {  	v43 =	vld [tilespmem:s26+$0x9A0]  }
0x188: {  	v44 =	vld [tilespmem:s26+$0x89A0]  }
0x189: {  	v45 =	vld [tilespmem:s26+$0x109A0]  }
0x18a: {  	v46 =	vld [tilespmem:s26+$0x9B0]  }
0x18b: {  	v47 =	vld [tilespmem:s26+$0x89B0]  }
0x18c: {  	v48 =	vld [tilespmem:s26+$0x109B0];
	v17 =	vmul.f32 v17, v16;
	v20 =	vmul.f32 v41, v40  }
0x18d: {  	v16 =	vmul.f32 v39, v16;
	v49 =	vmul.f32 v42, v40  }
0x18e: {  	v50 =	vmul.f32 v44, v43;
	v17 =	vadd.f32 v20, v17  }
0x18f: {  	v51 =	vmul.f32 v45, v43;
	v16 =	vadd.f32 v49, v16  }
0x190: {  	v52 =	vmul.f32 v47, v46;
	v17 =	vadd.f32 v50, v17  }
0x191: {  	v53 =	vmul.f32 v48, v46;
	v16 =	vadd.f32 v51, v16  }
0x192: {  	v17 =	vadd.f32 v52, v17  }
0x193: {  	v16 =	vadd.f32 v53, v16  }
0x194: {  	[tilespmem:v14+s18+$0x0] =	vst.idx.msk $0xffff, v17  }
0x195: {  	[tilespmem:v14+s19+$0x0] =	vst.idx.msk $0xffff, v16  }
0x196: {  	v16 =	vld [tilespmem:s26+$0x9C0]  }
0x197: {  	v17 =	vld [tilespmem:s26+$0x89C0]  }
0x198: {  	v54 =	vld [tilespmem:s26+$0x109C0]  }
0x199: {  	v55 =	vld [tilespmem:s26+$0x9D0]  }
0x19a: {  	v56 =	vld [tilespmem:s26+$0x89D0]  }
0x19b: {  	v57 =	vld [tilespmem:s26+$0x109D0]  }
0x19c: {  	v58 =	vld [tilespmem:s26+$0x9E0]  }
0x19d: {  	v59 =	vld [tilespmem:s26+$0x89E0]  }
0x19e: {  	v60 =	vld [tilespmem:s26+$0x109E0]  }
0x19f: {  	v61 =	vld [tilespmem:s26+$0x9F0]  }
0x1a0: {  	v62 =	vld [tilespmem:s26+$0x89F0]  }
0x1a1: {  	v63 =	vld [tilespmem:s26+$0x109F0];
	v17 =	vmul.f32 v17, v16;
	v20 =	vmul.f32 v56, v55  }
0x1a2: {  	v16 =	vmul.f32 v54, v16;
	v29 =	vmul.f32 v57, v55  }
0x1a3: {  	v30 =	vmul.f32 v59, v58;
	v17 =	vadd.f32 v20, v17  }
0x1a4: {  	v31 =	vmul.f32 v60, v58;
	v16 =	vadd.f32 v29, v16  }
0x1a5: {  	v32 =	vmul.f32 v62, v61;
	v17 =	vadd.f32 v30, v17  }
0x1a6: {  	v33 =	vmul.f32 v63, v61;
	v16 =	vadd.f32 v31, v16  }
0x1a7: {  	v17 =	vadd.f32 v32, v17  }
0x1a8: {  	v16 =	vadd.f32 v33, v16  }
0x1a9: {  	[tilespmem:v15+s18+$0x0] =	vst.idx.msk $0xffff, v17  }
0x1aa: {  	[tilespmem:v15+s19+$0x0] =	vst.idx.msk $0xffff, v16  }
0x1ab: {  	v16 =	vld [tilespmem:$0x18600]  }
0x1ac: {  	v17 =	vld [tilespmem:$0x18700]  }
0x1ad: {  	v34 =	vld [tilespmem:$0x18610]  }
0x1ae: {  	v35 =	vld [tilespmem:$0x18710]  }
0x1af: {  	v36 =	vld [tilespmem:$0x18620]  }
0x1b0: {  	v37 =	vld [tilespmem:$0x18720]  }
0x1b1: {  	v38 =	vld [tilespmem:$0x18630]  }
0x1b2: {  	v39 =	vld [tilespmem:$0x18730];
	v16 =	vadd.f32 v34, v16  }
0x1b3: {  	v40 =	vld [tilespmem:$0x18640];
	v17 =	vadd.f32 v35, v17  }
0x1b4: {  	v41 =	vld [tilespmem:$0x18740];
	v16 =	vadd.f32 v36, v16  }
0x1b5: {  	v42 =	vld [tilespmem:$0x18650];
	v17 =	vadd.f32 v37, v17  }
0x1b6: {  	v43 =	vld [tilespmem:$0x18750];
	v16 =	vadd.f32 v38, v16  }
0x1b7: {  	v44 =	vld [tilespmem:$0x18660];
	v17 =	vadd.f32 v39, v17  }
0x1b8: {  	v45 =	vld [tilespmem:$0x18760];
	v16 =	vadd.f32 v40, v16  }
0x1b9: {  	v46 =	vld [tilespmem:$0x18670];
	v17 =	vadd.f32 v41, v17  }
0x1ba: {  	v47 =	vld [tilespmem:$0x18770];
	v16 =	vadd.f32 v42, v16  }
0x1bb: {  	v48 =	vld [tilespmem:$0x18680];
	v17 =	vadd.f32 v43, v17  }
0x1bc: {  	v49 =	vld [tilespmem:$0x18780];
	v16 =	vadd.f32 v44, v16  }
0x1bd: {  	v50 =	vld [tilespmem:$0x18690];
	v17 =	vadd.f32 v45, v17  }
0x1be: {  	v51 =	vld [tilespmem:$0x18790];
	v16 =	vadd.f32 v46, v16  }
0x1bf: {  	v52 =	vld [tilespmem:$0x186A0];
	v17 =	vadd.f32 v47, v17  }
0x1c0: {  	v53 =	vld [tilespmem:$0x187A0];
	v16 =	vadd.f32 v48, v16  }
0x1c1: {  	v54 =	vld [tilespmem:$0x186B0];
	v17 =	vadd.f32 v49, v17  }
0x1c2: {  	v55 =	vld [tilespmem:$0x187B0];
	v16 =	vadd.f32 v50, v16  }
0x1c3: {  	v56 =	vld [tilespmem:$0x186C0];
	v17 =	vadd.f32 v51, v17  }
0x1c4: {  	v57 =	vld [tilespmem:$0x187C0];
	v16 =	vadd.f32 v52, v16  }
0x1c5: {  	v58 =	vld [tilespmem:$0x186D0];
	v17 =	vadd.f32 v53, v17  }
0x1c6: {  	v59 =	vld [tilespmem:$0x187D0];
	v16 =	vadd.f32 v54, v16  }
0x1c7: {  	v60 =	vld [tilespmem:$0x186E0];
	v17 =	vadd.f32 v55, v17  }
0x1c8: {  	v61 =	vld [tilespmem:$0x187E0];
	v16 =	vadd.f32 v56, v16  }
0x1c9: {  	v62 =	vld [tilespmem:$0x186F0];
	v17 =	vadd.f32 v57, v17  }
0x1ca: {  	v63 =	vld [tilespmem:$0x187F0];
	v16 =	vadd.f32 v58, v16  }
0x1cb: {  	v17 =	vadd.f32 v59, v17  }
0x1cc: {  	p0 =	sne.s32 s25, $0x1F000;
	v16 =	vadd.f32 v60, v16  }
.Ltmp0:
0x1cd: {  	v17 =	vadd.f32 v61, v17;
	(pc) =	sbr.rel @p0 .LBB2_2-.Ltmp0, $4  }
0x1ce: {  	v16 =	vadd.f32 v62, v16  }
0x1cf: {  	v17 =	vadd.f32 v63, v17  }
0x1d0: {  	[tilespmem:s24+$0x0] =	vst v16  }
0x1d1: {  	s25 =	sadd.s32 $0x1000, s25;
	s24 =	sadd.s32 $0x10, s24;
	[tilespmem:s23+$0x0] =	vst v17;
	s23 =	sadd.s32 $0x10, s23  }
0x1d2: {  	[hbm4b:s8+s1] =	stream.linear.scatter [tilespmem:s20], [sflag:$0x2], $0x200, $0x38;
	[tilespmem:$0x18C00] =	vst v63  }
0x1d3: {  	s22 =	sadd.s32 $0x1, s22;
	_ =	swait.ge [sflag:s11], $0x200  }
0x1d4: {  	p0 =	sne.s32 s22, s10;
	[sflag:s11] =	ssyncset.done $0x0  }
.Ltmp1:
0x1d5: {  	[sflag:s11] =	ssyncadd.s32 $0xFFFFFE00;
	(pc) =	sbr.rel @p0 .LBB2_1-.Ltmp1, $4  }
0x1d6: {  	[hbm4b:s9+s1] =	stream.linear.scatter [tilespmem:s21], [sflag:$0x2], $0x200, $0x38;
	[tilespmem:$0x18C00] =	vst v63  }
0x1d7: {  	_ =	swait.ge [sflag:s11], $0x200  }
0x1d8: {  	[sflag:s11] =	ssyncset.done $0x0  }
0x1d9: {  	[sflag:s11] =	ssyncadd.s32 $0xFFFFFE00  }
0x1da: {  	_ =	sfence.sel $0x180000  }
0x1db: {  	[bflag:$0x0] =	sbarrier.arrive $0xFFFF  }
0x1dc: {  	_ =	strace $0x90000047  }
0x1dd: {  	s0 =	stileid.u32;
	[bflag:$0x2] =	sbarrier.arrive $0xFFFF  }
0x1de: {  	p0 =	sne.s32 s0, $0x0;
	s0 =	rddreg [dreg:$0x6]  }
0x1df: {  	s0 =	sadd.s32 @!p0 $0x100000, s0  }
0x1e0: {  	[sflag:s0] =	ssyncadd.tile.s32 @!p0 $0x1;
	_ =	shalt  }
.Lfunc_end2:
_tile_overlayer_lowered:
.L_overlay_start_2:
0x1e1: {  	(tag) =	ssettag $0x2  }
0x1e2: {  	s0 =	rddreg [dreg:$0x0];
	s2 =	stileid.u32  }
0x1e3: {  	s1 =	rddreg [dreg:$0x1];
	p0 =	sne.s32 s2, $0x0  }
0x1e4: {  	s3 =	rddreg [dreg:$0x2];
	[bflag:$0x3] =	sbarrier.arrive $0xFFFF;
	s2 =	simm.s32 @!p0 $0x1C02  }
0x1e5: {  	[timem:s3], [sflag:s2] =	dma.local @!p0 [hbm:s0], s1  }
0x1e6: {  	s0 =	simm.s32 @!p0 $0x2  }
0x1e7: {  	_ =	swait.ge @!p0 [sflag:s0], s1  }
0x1e8: {  	s1 =	ssub.s32 @!p0 $0x0, s1;
	[sflag:s0] =	ssyncset.done @!p0 $0x0  }
0x1e9: {  	[sflag:s0] =	ssyncadd.s32 @!p0 s1  }
0x1ea: {  	[bflag:$0x3] =	sbarrier.arrive $0xFFFF  }
0x1eb: {  	_ =	shalt  }

</sc_bundles>
